<compile_context>
chip_gen: v7x
topology: tpu7x:2x2x1
jax: 0.10.2.dev20260603
libtpu: 0.0.44.dev20260713+nightly
codegen_flags: <defaults>
</compile_context>

<pallas_src>
import jax
import jax.numpy as jnp
from jax import lax
from jax.experimental import pallas as pl
from jax.experimental.pallas import tpu as pltpu
from jax.experimental.pallas import tpu_sc as plsc

N_POINTS = 819200
N_GRID = 512
N_BASIS = 16

NC = 2
NS = 16
NW = NC * NS

PER_W = N_POINTS // NW
CHUNK = 512
N_CHUNKS = PER_W // CHUNK
N_PAIRS = N_CHUNKS // 2


def _sc_body(t_hbm, grid_hbm, out_hbm, table_v, dtab_v,
             t_v0, t_v1, out_v0, out_v1, sem_t0, sem_t1, sem_o0, sem_o1):
    wid = lax.axis_index("s") * NC + lax.axis_index("c")
    my_base = wid * PER_W

    pltpu.sync_copy(grid_hbm, table_v)
    pltpu.sync_copy(grid_hbm.at[pl.ds(N_BASIS, (N_GRID - 1) * N_BASIS)],
                    dtab_v.at[pl.ds(0, (N_GRID - 1) * N_BASIS)])
    pltpu.sync_copy(grid_hbm.at[pl.ds((N_GRID - 1) * N_BASIS, N_BASIS)],
                    dtab_v.at[pl.ds((N_GRID - 1) * N_BASIS, N_BASIS)])

    lane = lax.iota(jnp.int32, 16)

    def diff_body(r, _):
        off = r * 16
        dtab_v[pl.ds(off, 16)] = (dtab_v[pl.ds(off, 16)]
                                  - table_v[pl.ds(off, 16)])
        return 0

    lax.fori_loop(0, N_GRID, diff_body, 0)

    def prep(t_v, j):
        tvec = t_v[pl.ds(j * 16, 16)]
        u = tvec * jnp.float32(N_GRID - 1)
        i0v = u.astype(jnp.int32)
        wv = u - i0v.astype(jnp.float32)
        return i0v * N_BASIS, wv

    def compute_chunk(t_v, out_v):
        def block_body(j, carry):
            o0v, wv = carry
            carry_n = prep(t_v, j + 1)
            rowv = j * 16 + lane
            for wave in range(0, 8, 4):
                gs = []
                for d in range(wave, wave + 4):
                    dvec = (lane + d) & (N_BASIS - 1)
                    dvec_b = dvec ^ 8
                    idx_a = o0v | dvec
                    idx_b = idx_a ^ 8
                    g0a = plsc.load_gather(table_v, [idx_a])
                    gda = plsc.load_gather(dtab_v, [idx_a])
                    g0b = plsc.load_gather(table_v, [idx_b])
                    gdb = plsc.load_gather(dtab_v, [idx_b])
                    gs.append((dvec, dvec_b, g0a, gda, g0b, gdb))
                for dvec, dvec_b, g0a, gda, g0b, gdb in gs:
                    plsc.store_scatter(out_v, [dvec, rowv], g0a + wv * gda)
                    plsc.store_scatter(out_v, [dvec_b, rowv], g0b + wv * gdb)
            return carry_n

        lax.fori_loop(0, CHUNK // 16, block_body, prep(t_v, 0))

    def t_copy(base, t_v, sem):
        return pltpu.make_async_copy(t_hbm.at[pl.ds(base, CHUNK)],
                                     t_v.at[pl.ds(0, CHUNK)], sem)

    def out_copy(base, out_v, sem):
        return pltpu.make_async_copy(out_v, out_hbm.at[:, pl.ds(base, CHUNK)],
                                     sem)

    t_v0[pl.ds(CHUNK, 16)] = jnp.zeros(16, jnp.float32)
    t_v1[pl.ds(CHUNK, 16)] = jnp.zeros(16, jnp.float32)

    t_copy(my_base, t_v0, sem_t0).start()

    def pair_body(k, _):
        b0 = my_base + (2 * k) * CHUNK
        b1 = b0 + CHUNK

        t_copy(b0, t_v0, sem_t0).wait()
        t_copy(b1, t_v1, sem_t1).start()

        @pl.when(k > 0)
        def _():
            out_copy(b0 - 2 * CHUNK, out_v0, sem_o0).wait()

        compute_chunk(t_v0, out_v0)
        out_copy(b0, out_v0, sem_o0).start()

        t_copy(b1, t_v1, sem_t1).wait()

        @pl.when(k < N_PAIRS - 1)
        def _():
            t_copy(b0 + 2 * CHUNK, t_v0, sem_t0).start()

        @pl.when(k > 0)
        def _():
            out_copy(b1 - 2 * CHUNK, out_v1, sem_o1).wait()

        compute_chunk(t_v1, out_v1)
        out_copy(b1, out_v1, sem_o1).start()
        return 0

    lax.fori_loop(0, N_PAIRS, pair_body, 0)

    out_copy(my_base, out_v0, sem_o0).wait()
    out_copy(my_base, out_v1, sem_o1).wait()


def kernel(t, I_grid):
    mesh = plsc.VectorSubcoreMesh(core_axis_name="c", subcore_axis_name="s")
    f = pl.kernel(
        _sc_body,
        out_type=jax.ShapeDtypeStruct((N_BASIS, N_POINTS), jnp.float32),
        mesh=mesh,
        compiler_params=pltpu.CompilerParams(needs_layout_passes=False,
                                             use_tc_tiling_on_sc=True),
        scratch_types=[
            pltpu.VMEM((N_GRID * N_BASIS,), jnp.float32),
            pltpu.VMEM((N_GRID * N_BASIS,), jnp.float32),
            pltpu.VMEM((CHUNK + 32,), jnp.float32),
            pltpu.VMEM((CHUNK + 32,), jnp.float32),
            pltpu.VMEM((N_BASIS, CHUNK), jnp.float32),
            pltpu.VMEM((N_BASIS, CHUNK), jnp.float32),
            pltpu.SemaphoreType.DMA,
            pltpu.SemaphoreType.DMA,
            pltpu.SemaphoreType.DMA,
            pltpu.SemaphoreType.DMA,
        ],
    )
    out_t = f(t, I_grid.reshape(-1))
    return out_t.T

# --- scband reference (transcript-rebuilt; emitter-appended) ---
"""Pipeline reference for scband-ispline-basis-11278584119716 (READ-ONLY COPY).

The authoritative reference and input builder live on the scoring server;
editing this copy changes nothing except your own understanding.
"""

import jax, jax.numpy as jnp
import numpy as np

N_BASIS = 16
DEGREE = 3
N_GRID = 512
N_POINTS = 819200


def _bspline_basis_grid_np(knots, degree, grid):
    G = grid.size
    M = knots.size - degree - 1
    Bk = np.zeros((G, M), dtype=np.float64)
    for i in range(M):
        left, right = knots[i], knots[i + 1]
        cond = (grid >= left) & (grid < right)
        if i == M - 1:
            cond = cond | (grid == right)
        Bk[:, i] = cond.astype(np.float64)
    for k in range(1, degree + 1):
        Bk_next = np.zeros_like(Bk)
        for i in range(M):
            term1 = 0.0
            denom1 = knots[i + k] - knots[i]
            if denom1 > 0:
                term1 = (grid - knots[i]) / denom1 * Bk[:, i]
            term2 = 0.0
            if i + 1 < M:
                denom2 = knots[i + k + 1] - knots[i + 1]
                if denom2 > 0:
                    term2 = (knots[i + k + 1] - grid) / denom2 * Bk[:, i + 1]
            Bk_next[:, i] = term1 + term2
        Bk = Bk_next
    return Bk


def _build_I_grid(n_basis, degree, n_grid):
    n_knots = n_basis + degree + 1
    interior = max(0, n_knots - 2 * (degree + 1))
    if interior > 0:
        interior_knots = np.linspace(0.0, 1.0, interior + 2)[1:-1]
    else:
        interior_knots = np.empty(0)
    knots = np.concatenate([np.zeros(degree + 1), interior_knots, np.ones(degree + 1)])
    grid = np.linspace(0.0, 1.0, n_grid)
    B_grid = _bspline_basis_grid_np(knots, degree, grid)
    denom = np.maximum(knots[degree + 1:degree + 1 + n_basis] - knots[:n_basis], 1e-08)
    M_grid = (degree + 1) * B_grid / denom
    dx = 1.0 / (n_grid - 1)
    I_grid = np.zeros_like(M_grid)
    I_grid[1:, :] = np.cumsum(0.5 * (M_grid[1:, :] + M_grid[:-1, :]) * dx, axis=0)
    I_grid = I_grid / np.maximum(I_grid[-1, :], 1e-08)
    return I_grid.astype(np.float32)


def setup_inputs(seed: int = 0) -> dict:
    key = jax.random.key(seed)
    t = jax.random.uniform(key, (N_POINTS,), dtype=jnp.float32)
    I_grid = jnp.asarray(_build_I_grid(N_BASIS, DEGREE, N_GRID))
    return {"t": t, "I_grid": I_grid}


def reference(t, I_grid):
    n_grid = I_grid.shape[0]
    t2 = t.reshape(-1, 1)
    u = jnp.clip(t2 * (n_grid - 1), 0.0, float(n_grid - 1))
    i0 = jnp.floor(u).astype(jnp.int32)
    i1 = jnp.minimum(i0 + 1, n_grid - 1)
    w = u - i0.astype(jnp.float32)
    I0 = jnp.take(I_grid, i0[:, 0], axis=0)
    I1 = jnp.take(I_grid, i1[:, 0], axis=0)
    return (1.0 - w) * I0 + w * I1

if __name__ == "__main__":
    import jax
    _d = setup_inputs()
    print(jax.jit(kernel)(*tuple(_d.values())))

</pallas_src>

<mosaic_0001>
#map = affine_map<(d0, d1) -> (0)>
#map1 = affine_map<(d0, d1) -> (0, 0)>
module attributes {stable_mosaic.version = 14 : i64} {
  func.func @_sc_body(%arg0: i32, %arg1: i32, %arg2: memref<819200xf32, #tpu.memory_space<hbm>>, %arg3: memref<8192xf32, #tpu.memory_space<hbm>>, %arg4: memref<16x819200xf32, #tpu.memory_space<hbm>>, %arg5: memref<8192xf32, #tpu.memory_space<vmem>>, %arg6: memref<8192xf32, #tpu.memory_space<vmem>>, %arg7: memref<544xf32, #tpu.memory_space<vmem>>, %arg8: memref<544xf32, #tpu.memory_space<vmem>>, %arg9: memref<16x512xf32, #tpu.memory_space<vmem>>, %arg10: memref<16x512xf32, #tpu.memory_space<vmem>>, %arg11: memref<!tpu.dma_semaphore, #tpu.memory_space<semaphore_mem>>, %arg12: memref<!tpu.dma_semaphore, #tpu.memory_space<semaphore_mem>>, %arg13: memref<!tpu.dma_semaphore, #tpu.memory_space<semaphore_mem>>, %arg14: memref<!tpu.dma_semaphore, #tpu.memory_space<semaphore_mem>>) attributes {dimension_semantics = [#tpu.dimension_semantics<core_parallel>, #tpu.dimension_semantics<subcore_parallel>], iteration_bounds = array<i64: 2, 16>, scalar_prefetch = 0 : i64, scratch_operands = 10 : i64, tpu.core_type = #tpu.core_type<sc_vector_subcore>, window_params = [{transform_indices = #map}, {transform_indices = #map}, {transform_indices = #map1}]} {
    %mul3A = arith.constant 2 : i32
    %mul3A_0 = arith.muli %arg1, %mul3A : i32
    %add3A = arith.addi %mul3A_0, %arg0 : i32
    %mul3A_1 = arith.constant 25600 : i32
    %mul3A_2 = arith.muli %add3A, %mul3A_1 : i32
    "tpu.region"() ({
      %run_scoped3A = tpu.sem_alloc : memref<!tpu.dma_semaphore, #tpu.memory_space<semaphore_mem>>
      tpu.enqueue_dma source(%arg3 : memref<8192xf32, #tpu.memory_space<hbm>>) target(%arg5 : memref<8192xf32, #tpu.memory_space<vmem>>) target_semaphore(%run_scoped3A : memref<!tpu.dma_semaphore, #tpu.memory_space<semaphore_mem>>)
      tpu.wait_dma2 semaphore(%run_scoped3A : memref<!tpu.dma_semaphore, #tpu.memory_space<semaphore_mem>>) src(%arg3 : memref<8192xf32, #tpu.memory_space<hbm>>) dst(%arg5 : memref<8192xf32, #tpu.memory_space<vmem>>)
      tpu.yield
    }) : () -> ()
    "tpu.region"() ({
      %run_scoped3A = tpu.sem_alloc : memref<!tpu.dma_semaphore, #tpu.memory_space<semaphore_mem>>
      %dma_start3A_34 = arith.constant 0 : i32
      %dma_start3A_35 = tpu.memref_slice %arg6[%dma_start3A_34] : memref<8192xf32, #tpu.memory_space<vmem>> -> memref<8176xf32, #tpu.memory_space<vmem>>
      %dma_start3A_36 = arith.constant 16 : i32
      %dma_start3A_37 = tpu.memref_slice %arg3[%dma_start3A_36] : memref<8192xf32, #tpu.memory_space<hbm>> -> memref<8176xf32, #tpu.memory_space<hbm>>
      %dma_start3A_38 = arith.constant 0 : i32
      %dma_start3A_39 = tpu.memref_slice %arg6[%dma_start3A_38] : memref<8192xf32, #tpu.memory_space<vmem>> -> memref<8176xf32, #tpu.memory_space<vmem>>
      %dma_start3A_40 = arith.constant 16 : i32
      %dma_start3A_41 = tpu.memref_slice %arg3[%dma_start3A_40] : memref<8192xf32, #tpu.memory_space<hbm>> -> memref<8176xf32, #tpu.memory_space<hbm>>
      tpu.enqueue_dma source(%dma_start3A_41 : memref<8176xf32, #tpu.memory_space<hbm>>) target(%dma_start3A_39 : memref<8176xf32, #tpu.memory_space<vmem>>) target_semaphore(%run_scoped3A : memref<!tpu.dma_semaphore, #tpu.memory_space<semaphore_mem>>)
      %dma_wait3A_42 = arith.constant 0 : i32
      %dma_wait3A_43 = tpu.memref_slice %arg6[%dma_wait3A_42] : memref<8192xf32, #tpu.memory_space<vmem>> -> memref<8176xf32, #tpu.memory_space<vmem>>
      %dma_wait3A_44 = arith.constant 16 : i32
      %dma_wait3A_45 = tpu.memref_slice %arg3[%dma_wait3A_44] : memref<8192xf32, #tpu.memory_space<hbm>> -> memref<8176xf32, #tpu.memory_space<hbm>>
      %dma_wait3A_46 = arith.constant 0 : i32
      %dma_wait3A_47 = tpu.memref_slice %arg6[%dma_wait3A_46] : memref<8192xf32, #tpu.memory_space<vmem>> -> memref<8176xf32, #tpu.memory_space<vmem>>
      %dma_wait3A_48 = arith.constant 16 : i32
      %dma_wait3A_49 = tpu.memref_slice %arg3[%dma_wait3A_48] : memref<8192xf32, #tpu.memory_space<hbm>> -> memref<8176xf32, #tpu.memory_space<hbm>>
      tpu.wait_dma2 semaphore(%run_scoped3A : memref<!tpu.dma_semaphore, #tpu.memory_space<semaphore_mem>>) src(%dma_wait3A_49 : memref<8176xf32, #tpu.memory_space<hbm>>) dst(%dma_wait3A_47 : memref<8176xf32, #tpu.memory_space<vmem>>)
      tpu.yield
    }) : () -> ()
    "tpu.region"() ({
      %run_scoped3A = tpu.sem_alloc : memref<!tpu.dma_semaphore, #tpu.memory_space<semaphore_mem>>
      %dma_start3A_34 = arith.constant 8176 : i32
      %dma_start3A_35 = tpu.memref_slice %arg6[%dma_start3A_34] : memref<8192xf32, #tpu.memory_space<vmem>> -> memref<16xf32, #tpu.memory_space<vmem>>
      %dma_start3A_36 = arith.constant 8176 : i32
      %dma_start3A_37 = tpu.memref_slice %arg3[%dma_start3A_36] : memref<8192xf32, #tpu.memory_space<hbm>> -> memref<16xf32, #tpu.memory_space<hbm>>
      %dma_start3A_38 = arith.constant 8176 : i32
      %dma_start3A_39 = tpu.memref_slice %arg6[%dma_start3A_38] : memref<8192xf32, #tpu.memory_space<vmem>> -> memref<16xf32, #tpu.memory_space<vmem>>
      %dma_start3A_40 = arith.constant 8176 : i32
      %dma_start3A_41 = tpu.memref_slice %arg3[%dma_start3A_40] : memref<8192xf32, #tpu.memory_space<hbm>> -> memref<16xf32, #tpu.memory_space<hbm>>
      tpu.enqueue_dma source(%dma_start3A_41 : memref<16xf32, #tpu.memory_space<hbm>>) target(%dma_start3A_39 : memref<16xf32, #tpu.memory_space<vmem>>) target_semaphore(%run_scoped3A : memref<!tpu.dma_semaphore, #tpu.memory_space<semaphore_mem>>)
      %dma_wait3A_42 = arith.constant 8176 : i32
      %dma_wait3A_43 = tpu.memref_slice %arg6[%dma_wait3A_42] : memref<8192xf32, #tpu.memory_space<vmem>> -> memref<16xf32, #tpu.memory_space<vmem>>
      %dma_wait3A_44 = arith.constant 8176 : i32
      %dma_wait3A_45 = tpu.memref_slice %arg3[%dma_wait3A_44] : memref<8192xf32, #tpu.memory_space<hbm>> -> memref<16xf32, #tpu.memory_space<hbm>>
      %dma_wait3A_46 = arith.constant 8176 : i32
      %dma_wait3A_47 = tpu.memref_slice %arg6[%dma_wait3A_46] : memref<8192xf32, #tpu.memory_space<vmem>> -> memref<16xf32, #tpu.memory_space<vmem>>
      %dma_wait3A_48 = arith.constant 8176 : i32
      %dma_wait3A_49 = tpu.memref_slice %arg3[%dma_wait3A_48] : memref<8192xf32, #tpu.memory_space<hbm>> -> memref<16xf32, #tpu.memory_space<hbm>>
      tpu.wait_dma2 semaphore(%run_scoped3A : memref<!tpu.dma_semaphore, #tpu.memory_space<semaphore_mem>>) src(%dma_wait3A_49 : memref<16xf32, #tpu.memory_space<hbm>>) dst(%dma_wait3A_47 : memref<16xf32, #tpu.memory_space<vmem>>)
      tpu.yield
    }) : () -> ()
    %iota3A = tpu.iota {dimensions = array<i32: 0>} : vector<16xi32>
    %scan3A = arith.constant 0 : i32
    %scan3A_3 = arith.constant 0 : i32
    %scan3A_4 = arith.constant 512 : i32
    %scan3A_5 = arith.addi %scan3A_3, %scan3A_4 : i32
    %scan3A_6 = arith.constant 1 : i32
    %scan3A_7 = scf.for %scan3A_34 = %scan3A_3 to %scan3A_5 step %scan3A_6 iter_args(%scan3A_35 = %scan3A) -> (i32)  : i32 {
      %mul3A_36 = arith.constant 16 : i32
      %mul3A_37 = arith.muli %scan3A_34, %mul3A_36 : i32
      %get3A = arith.index_cast %mul3A_37 : i32 to index
      %get3A_38 = tpu.vector_load %arg6[%get3A] {strides = array<i32>} : memref<8192xf32, #tpu.memory_space<vmem>>, vector<16xf32>,
      %get3A_39 = arith.index_cast %mul3A_37 : i32 to index
      %get3A_40 = tpu.vector_load %arg5[%get3A_39] {strides = array<i32>} : memref<8192xf32, #tpu.memory_space<vmem>>, vector<16xf32>,
      %sub3A = arith.subf %get3A_38, %get3A_40 : vector<16xf32>
      %swap3A_41 = arith.index_cast %mul3A_37 : i32 to index
      %swap3A_42 = tpu.vector_load %arg6[%swap3A_41] {strides = array<i32>} : memref<8192xf32, #tpu.memory_space<vmem>>, vector<16xf32>,
      tpu.vector_store %arg6[%swap3A_41], %sub3A {strides = array<i32>} : memref<8192xf32, #tpu.memory_space<vmem>>, vector<16xf32>,
      %scan3A_43 = arith.constant 0 : i32
      scf.yield %scan3A_43 : i32
    }
    %scan3A_8 = arith.constant 512 : i32
    %broadcast_in_dim3A = arith.constant 0.000000e+00 : f32
    %broadcast_in_dim3A_9 = vector.broadcast %broadcast_in_dim3A : f32 to vector<16xf32>
    %swap3A = arith.constant 512 : index
    %swap3A_10 = tpu.vector_load %arg7[%swap3A] {strides = array<i32>} : memref<544xf32, #tpu.memory_space<vmem>>, vector<16xf32>,
    tpu.vector_store %arg7[%swap3A], %broadcast_in_dim3A_9 {strides = array<i32>} : memref<544xf32, #tpu.memory_space<vmem>>, vector<16xf32>,
    %broadcast_in_dim3A_11 = arith.constant 0.000000e+00 : f32
    %broadcast_in_dim3A_12 = vector.broadcast %broadcast_in_dim3A_11 : f32 to vector<16xf32>
    %swap3A_13 = arith.constant 512 : index
    %swap3A_14 = tpu.vector_load %arg8[%swap3A_13] {strides = array<i32>} : memref<544xf32, #tpu.memory_space<vmem>>, vector<16xf32>,
    tpu.vector_store %arg8[%swap3A_13], %broadcast_in_dim3A_12 {strides = array<i32>} : memref<544xf32, #tpu.memory_space<vmem>>, vector<16xf32>,
    %dma_start3A = arith.constant 0 : i32
    %dma_start3A_15 = tpu.memref_slice %arg7[%dma_start3A] : memref<544xf32, #tpu.memory_space<vmem>> -> memref<512xf32, #tpu.memory_space<vmem>>
    %dma_start3A_16 = tpu.memref_slice %arg2[%mul3A_2] : memref<819200xf32, #tpu.memory_space<hbm>> -> memref<512xf32, #tpu.memory_space<hbm>>
    %dma_start3A_17 = arith.constant 0 : i32
    %dma_start3A_18 = tpu.memref_slice %arg7[%dma_start3A_17] : memref<544xf32, #tpu.memory_space<vmem>> -> memref<512xf32, #tpu.memory_space<vmem>>
    %dma_start3A_19 = tpu.memref_slice %arg2[%mul3A_2] : memref<819200xf32, #tpu.memory_space<hbm>> -> memref<512xf32, #tpu.memory_space<hbm>>
    tpu.enqueue_dma source(%dma_start3A_19 : memref<512xf32, #tpu.memory_space<hbm>>) target(%dma_start3A_18 : memref<512xf32, #tpu.memory_space<vmem>>) target_semaphore(%arg11 : memref<!tpu.dma_semaphore, #tpu.memory_space<semaphore_mem>>)
    %scan3A_20 = arith.constant 0 : i32
    %scan3A_21 = arith.constant 0 : i32
    %scan3A_22 = arith.constant 25 : i32
    %scan3A_23 = arith.addi %scan3A_21, %scan3A_22 : i32
    %scan3A_24 = arith.constant 1 : i32
    %scan3A_25 = scf.for %scan3A_34 = %scan3A_21 to %scan3A_23 step %scan3A_24 iter_args(%scan3A_35 = %scan3A_20) -> (i32)  : i32 {
      %mul3A_36 = arith.constant 2 : i32
      %mul3A_37 = arith.muli %mul3A_36, %scan3A_34 : i32
      %mul3A_38 = arith.constant 512 : i32
      %mul3A_39 = arith.muli %mul3A_37, %mul3A_38 : i32
      %add3A_40 = arith.addi %mul3A_2, %mul3A_39 : i32
      %add3A_41 = arith.constant 512 : i32
      %add3A_42 = arith.addi %add3A_40, %add3A_41 : i32
      %dma_wait3A_43 = arith.constant 0 : i32
      %dma_wait3A_44 = tpu.memref_slice %arg7[%dma_wait3A_43] : memref<544xf32, #tpu.memory_space<vmem>> -> memref<512xf32, #tpu.memory_space<vmem>>
      %dma_wait3A_45 = tpu.memref_slice %arg2[%add3A_40] : memref<819200xf32, #tpu.memory_space<hbm>> -> memref<512xf32, #tpu.memory_space<hbm>>
      %dma_wait3A_46 = arith.constant 0 : i32
      %dma_wait3A_47 = tpu.memref_slice %arg7[%dma_wait3A_46] : memref<544xf32, #tpu.memory_space<vmem>> -> memref<512xf32, #tpu.memory_space<vmem>>
      %dma_wait3A_48 = tpu.memref_slice %arg2[%add3A_40] : memref<819200xf32, #tpu.memory_space<hbm>> -> memref<512xf32, #tpu.memory_space<hbm>>
      tpu.wait_dma2 semaphore(%arg11 : memref<!tpu.dma_semaphore, #tpu.memory_space<semaphore_mem>>) src(%dma_wait3A_48 : memref<512xf32, #tpu.memory_space<hbm>>) dst(%dma_wait3A_47 : memref<512xf32, #tpu.memory_space<vmem>>)
      %dma_start3A_49 = arith.constant 0 : i32
      %dma_start3A_50 = tpu.memref_slice %arg8[%dma_start3A_49] : memref<544xf32, #tpu.memory_space<vmem>> -> memref<512xf32, #tpu.memory_space<vmem>>
      %dma_start3A_51 = tpu.memref_slice %arg2[%add3A_42] : memref<819200xf32, #tpu.memory_space<hbm>> -> memref<512xf32, #tpu.memory_space<hbm>>
      %dma_start3A_52 = arith.constant 0 : i32
      %dma_start3A_53 = tpu.memref_slice %arg8[%dma_start3A_52] : memref<544xf32, #tpu.memory_space<vmem>> -> memref<512xf32, #tpu.memory_space<vmem>>
      %dma_start3A_54 = tpu.memref_slice %arg2[%add3A_42] : memref<819200xf32, #tpu.memory_space<hbm>> -> memref<512xf32, #tpu.memory_space<hbm>>
      tpu.enqueue_dma source(%dma_start3A_54 : memref<512xf32, #tpu.memory_space<hbm>>) target(%dma_start3A_53 : memref<512xf32, #tpu.memory_space<vmem>>) target_semaphore(%arg12 : memref<!tpu.dma_semaphore, #tpu.memory_space<semaphore_mem>>)
      %gt3A = arith.constant 0 : i32
      %gt3A_55 = arith.cmpi sgt, %scan3A_34, %gt3A : i32
      %convert_element_type3A = arith.extui %gt3A_55 : i1 to i32
      %cond3A = arith.constant 0 : i32
      %cond3A_56 = arith.cmpi ne, %convert_element_type3A, %cond3A : i32
      scf.if %cond3A_56 {
        %sub3A_113 = arith.constant 1024 : i32
        %sub3A_114 = arith.subi %add3A_40, %sub3A_113 : i32
        %dma_wait3A_115 = arith.constant 0 : i32
        %dma_wait3A_116 = tpu.memref_slice %arg4[%dma_wait3A_115, %sub3A_114] : memref<16x819200xf32, #tpu.memory_space<hbm>> -> memref<16x512xf32, #tpu.memory_space<hbm>>
        %dma_wait3A_117 = arith.constant 0 : i32
        %dma_wait3A_118 = tpu.memref_slice %arg4[%dma_wait3A_117, %sub3A_114] : memref<16x819200xf32, #tpu.memory_space<hbm>> -> memref<16x512xf32, #tpu.memory_space<hbm>>
        tpu.wait_dma2 semaphore(%arg13 : memref<!tpu.dma_semaphore, #tpu.memory_space<semaphore_mem>>) src(%arg9 : memref<16x512xf32, #tpu.memory_space<vmem>>) dst(%dma_wait3A_118 : memref<16x512xf32, #tpu.memory_space<hbm>>)
      } else {
      }
      %get3A = arith.constant 0 : index
      %get3A_57 = tpu.vector_load %arg7[%get3A] {strides = array<i32>} : memref<544xf32, #tpu.memory_space<vmem>>, vector<16xf32>,
      %mul3A_58 = arith.constant 5.110000e+02 : f32
      %mul3A_59 = vector.broadcast %mul3A_58 : f32 to vector<16xf32>
      %mul3A_60 = arith.mulf %get3A_57, %mul3A_59 : vector<16xf32>
      %convert_element_type3A_61 = arith.fptosi %mul3A_60 : vector<16xf32> to vector<16xi32>
      %convert_element_type3A_62 = arith.sitofp %convert_element_type3A_61 : vector<16xi32> to vector<16xf32>
      %sub3A = arith.subf %mul3A_60, %convert_element_type3A_62 : vector<16xf32>
      %mul3A_63 = arith.constant 16 : i32
      %mul3A_64 = vector.broadcast %mul3A_63 : i32 to vector<16xi32>
      %mul3A_65 = arith.muli %convert_element_type3A_61, %mul3A_64 : vector<16xi32>
      %scan3A_66 = arith.constant 0 : i32
      %scan3A_67 = arith.constant 32 : i32
      %scan3A_68 = arith.addi %scan3A_66, %scan3A_67 : i32
      %scan3A_69 = arith.constant 1 : i32
      %scan3A_70:2 = scf.for %scan3A_113 = %scan3A_66 to %scan3A_68 step %scan3A_69 iter_args(%scan3A_114 = %mul3A_65, %scan3A_115 = %sub3A) -> (vector<16xi32>, vector<16xf32>)  : i32 {
        %add3A_116 = arith.constant 1 : i32
        %add3A_117 = arith.addi %scan3A_113, %add3A_116 : i32
        %mul3A_118 = arith.constant 16 : i32
        %mul3A_119 = arith.muli %add3A_117, %mul3A_118 : i32
        %get3A_120 = arith.index_cast %mul3A_119 : i32 to index
        %get3A_121 = tpu.vector_load %arg7[%get3A_120] {strides = array<i32>} : memref<544xf32, #tpu.memory_space<vmem>>, vector<16xf32>,
        %mul3A_122 = arith.constant 5.110000e+02 : f32
        %mul3A_123 = vector.broadcast %mul3A_122 : f32 to vector<16xf32>
        %mul3A_124 = arith.mulf %get3A_121, %mul3A_123 : vector<16xf32>
        %convert_element_type3A_125 = arith.fptosi %mul3A_124 : vector<16xf32> to vector<16xi32>
        %convert_element_type3A_126 = arith.sitofp %convert_element_type3A_125 : vector<16xi32> to vector<16xf32>
        %sub3A_127 = arith.subf %mul3A_124, %convert_element_type3A_126 : vector<16xf32>
        %mul3A_128 = arith.constant 16 : i32
        %mul3A_129 = vector.broadcast %mul3A_128 : i32 to vector<16xi32>
        %mul3A_130 = arith.muli %convert_element_type3A_125, %mul3A_129 : vector<16xi32>
        %mul3A_131 = arith.constant 16 : i32
        %mul3A_132 = arith.muli %scan3A_113, %mul3A_131 : i32
        %add3A_133 = vector.broadcast %mul3A_132 : i32 to vector<16xi32>
        %add3A_134 = arith.addi %add3A_133, %iota3A : vector<16xi32>
        %add3A_135 = arith.constant 0 : i32
        %add3A_136 = vector.broadcast %add3A_135 : i32 to vector<16xi32>
        %add3A_137 = arith.addi %iota3A, %add3A_136 : vector<16xi32>
        %and3A = arith.constant 15 : i32
        %and3A_138 = vector.broadcast %and3A : i32 to vector<16xi32>
        %and3A_139 = arith.andi %add3A_137, %and3A_138 : vector<16xi32>
        %xor3A = arith.constant 8 : i32
        %xor3A_140 = vector.broadcast %xor3A : i32 to vector<16xi32>
        %xor3A_141 = arith.xori %and3A_139, %xor3A_140 : vector<16xi32>
        %or3A = arith.ori %scan3A_114, %and3A_139 : vector<16xi32>
        %xor3A_142 = arith.constant 8 : i32
        %xor3A_143 = vector.broadcast %xor3A_142 : i32 to vector<16xi32>
        %xor3A_144 = arith.xori %or3A, %xor3A_143 : vector<16xi32>
        %gather3A = tpu.vector_load_idx %arg5[%or3A] : memref<8192xf32, #tpu.memory_space<vmem>>[vector<16xi32>], vector<16xf32>,
        %gather3A_145 = tpu.vector_load_idx %arg6[%or3A] : memref<8192xf32, #tpu.memory_space<vmem>>[vector<16xi32>], vector<16xf32>,
        %gather3A_146 = tpu.vector_load_idx %arg5[%xor3A_144] : memref<8192xf32, #tpu.memory_space<vmem>>[vector<16xi32>], vector<16xf32>,
        %gather3A_147 = tpu.vector_load_idx %arg6[%xor3A_144] : memref<8192xf32, #tpu.memory_space<vmem>>[vector<16xi32>], vector<16xf32>,
        %add3A_148 = arith.constant 1 : i32
        %add3A_149 = vector.broadcast %add3A_148 : i32 to vector<16xi32>
        %add3A_150 = arith.addi %iota3A, %add3A_149 : vector<16xi32>
        %and3A_151 = arith.constant 15 : i32
        %and3A_152 = vector.broadcast %and3A_151 : i32 to vector<16xi32>
        %and3A_153 = arith.andi %add3A_150, %and3A_152 : vector<16xi32>
        %xor3A_154 = arith.constant 8 : i32
        %xor3A_155 = vector.broadcast %xor3A_154 : i32 to vector<16xi32>
        %xor3A_156 = arith.xori %and3A_153, %xor3A_155 : vector<16xi32>
        %or3A_157 = arith.ori %scan3A_114, %and3A_153 : vector<16xi32>
        %xor3A_158 = arith.constant 8 : i32
        %xor3A_159 = vector.broadcast %xor3A_158 : i32 to vector<16xi32>
        %xor3A_160 = arith.xori %or3A_157, %xor3A_159 : vector<16xi32>
        %gather3A_161 = tpu.vector_load_idx %arg5[%or3A_157] : memref<8192xf32, #tpu.memory_space<vmem>>[vector<16xi32>], vector<16xf32>,
        %gather3A_162 = tpu.vector_load_idx %arg6[%or3A_157] : memref<8192xf32, #tpu.memory_space<vmem>>[vector<16xi32>], vector<16xf32>,
        %gather3A_163 = tpu.vector_load_idx %arg5[%xor3A_160] : memref<8192xf32, #tpu.memory_space<vmem>>[vector<16xi32>], vector<16xf32>,
        %gather3A_164 = tpu.vector_load_idx %arg6[%xor3A_160] : memref<8192xf32, #tpu.memory_space<vmem>>[vector<16xi32>], vector<16xf32>,
        %add3A_165 = arith.constant 2 : i32
        %add3A_166 = vector.broadcast %add3A_165 : i32 to vector<16xi32>
        %add3A_167 = arith.addi %iota3A, %add3A_166 : vector<16xi32>
        %and3A_168 = arith.constant 15 : i32
        %and3A_169 = vector.broadcast %and3A_168 : i32 to vector<16xi32>
        %and3A_170 = arith.andi %add3A_167, %and3A_169 : vector<16xi32>
        %xor3A_171 = arith.constant 8 : i32
        %xor3A_172 = vector.broadcast %xor3A_171 : i32 to vector<16xi32>
        %xor3A_173 = arith.xori %and3A_170, %xor3A_172 : vector<16xi32>
        %or3A_174 = arith.ori %scan3A_114, %and3A_170 : vector<16xi32>
        %xor3A_175 = arith.constant 8 : i32
        %xor3A_176 = vector.broadcast %xor3A_175 : i32 to vector<16xi32>
        %xor3A_177 = arith.xori %or3A_174, %xor3A_176 : vector<16xi32>
        %gather3A_178 = tpu.vector_load_idx %arg5[%or3A_174] : memref<8192xf32, #tpu.memory_space<vmem>>[vector<16xi32>], vector<16xf32>,
        %gather3A_179 = tpu.vector_load_idx %arg6[%or3A_174] : memref<8192xf32, #tpu.memory_space<vmem>>[vector<16xi32>], vector<16xf32>,
        %gather3A_180 = tpu.vector_load_idx %arg5[%xor3A_177] : memref<8192xf32, #tpu.memory_space<vmem>>[vector<16xi32>], vector<16xf32>,
        %gather3A_181 = tpu.vector_load_idx %arg6[%xor3A_177] : memref<8192xf32, #tpu.memory_space<vmem>>[vector<16xi32>], vector<16xf32>,
        %add3A_182 = arith.constant 3 : i32
        %add3A_183 = vector.broadcast %add3A_182 : i32 to vector<16xi32>
        %add3A_184 = arith.addi %iota3A, %add3A_183 : vector<16xi32>
        %and3A_185 = arith.constant 15 : i32
        %and3A_186 = vector.broadcast %and3A_185 : i32 to vector<16xi32>
        %and3A_187 = arith.andi %add3A_184, %and3A_186 : vector<16xi32>
        %xor3A_188 = arith.constant 8 : i32
        %xor3A_189 = vector.broadcast %xor3A_188 : i32 to vector<16xi32>
        %xor3A_190 = arith.xori %and3A_187, %xor3A_189 : vector<16xi32>
        %or3A_191 = arith.ori %scan3A_114, %and3A_187 : vector<16xi32>
        %xor3A_192 = arith.constant 8 : i32
        %xor3A_193 = vector.broadcast %xor3A_192 : i32 to vector<16xi32>
        %xor3A_194 = arith.xori %or3A_191, %xor3A_193 : vector<16xi32>
        %gather3A_195 = tpu.vector_load_idx %arg5[%or3A_191] : memref<8192xf32, #tpu.memory_space<vmem>>[vector<16xi32>], vector<16xf32>,
        %gather3A_196 = tpu.vector_load_idx %arg6[%or3A_191] : memref<8192xf32, #tpu.memory_space<vmem>>[vector<16xi32>], vector<16xf32>,
        %gather3A_197 = tpu.vector_load_idx %arg5[%xor3A_194] : memref<8192xf32, #tpu.memory_space<vmem>>[vector<16xi32>], vector<16xf32>,
        %gather3A_198 = tpu.vector_load_idx %arg6[%xor3A_194] : memref<8192xf32, #tpu.memory_space<vmem>>[vector<16xi32>], vector<16xf32>,
        %mul3A_199 = arith.mulf %scan3A_115, %gather3A_145 : vector<16xf32>
        %add3A_200 = arith.addf %gather3A, %mul3A_199 : vector<16xf32>
        tpu.vector_store_idx %arg9[%and3A_139, %add3A_134], %add3A_200 : memref<16x512xf32, #tpu.memory_space<vmem>>[vector<16xi32>, vector<16xi32>], vector<16xf32>,
        %mul3A_201 = arith.mulf %scan3A_115, %gather3A_147 : vector<16xf32>
        %add3A_202 = arith.addf %gather3A_146, %mul3A_201 : vector<16xf32>
        tpu.vector_store_idx %arg9[%xor3A_141, %add3A_134], %add3A_202 : memref<16x512xf32, #tpu.memory_space<vmem>>[vector<16xi32>, vector<16xi32>], vector<16xf32>,
        %mul3A_203 = arith.mulf %scan3A_115, %gather3A_162 : vector<16xf32>
        %add3A_204 = arith.addf %gather3A_161, %mul3A_203 : vector<16xf32>
        tpu.vector_store_idx %arg9[%and3A_153, %add3A_134], %add3A_204 : memref<16x512xf32, #tpu.memory_space<vmem>>[vector<16xi32>, vector<16xi32>], vector<16xf32>,
        %mul3A_205 = arith.mulf %scan3A_115, %gather3A_164 : vector<16xf32>
        %add3A_206 = arith.addf %gather3A_163, %mul3A_205 : vector<16xf32>
        tpu.vector_store_idx %arg9[%xor3A_156, %add3A_134], %add3A_206 : memref<16x512xf32, #tpu.memory_space<vmem>>[vector<16xi32>, vector<16xi32>], vector<16xf32>,
        %mul3A_207 = arith.mulf %scan3A_115, %gather3A_179 : vector<16xf32>
        %add3A_208 = arith.addf %gather3A_178, %mul3A_207 : vector<16xf32>
        tpu.vector_store_idx %arg9[%and3A_170, %add3A_134], %add3A_208 : memref<16x512xf32, #tpu.memory_space<vmem>>[vector<16xi32>, vector<16xi32>], vector<16xf32>,
        %mul3A_209 = arith.mulf %scan3A_115, %gather3A_181 : vector<16xf32>
        %add3A_210 = arith.addf %gather3A_180, %mul3A_209 : vector<16xf32>
        tpu.vector_store_idx %arg9[%xor3A_173, %add3A_134], %add3A_210 : memref<16x512xf32, #tpu.memory_space<vmem>>[vector<16xi32>, vector<16xi32>], vector<16xf32>,
        %mul3A_211 = arith.mulf %scan3A_115, %gather3A_196 : vector<16xf32>
        %add3A_212 = arith.addf %gather3A_195, %mul3A_211 : vector<16xf32>
        tpu.vector_store_idx %arg9[%and3A_187, %add3A_134], %add3A_212 : memref<16x512xf32, #tpu.memory_space<vmem>>[vector<16xi32>, vector<16xi32>], vector<16xf32>,
        %mul3A_213 = arith.mulf %scan3A_115, %gather3A_198 : vector<16xf32>
        %add3A_214 = arith.addf %gather3A_197, %mul3A_213 : vector<16xf32>
        tpu.vector_store_idx %arg9[%xor3A_190, %add3A_134], %add3A_214 : memref<16x512xf32, #tpu.memory_space<vmem>>[vector<16xi32>, vector<16xi32>], vector<16xf32>,
        %add3A_215 = arith.constant 4 : i32
        %add3A_216 = vector.broadcast %add3A_215 : i32 to vector<16xi32>
        %add3A_217 = arith.addi %iota3A, %add3A_216 : vector<16xi32>
        %and3A_218 = arith.constant 15 : i32
        %and3A_219 = vector.broadcast %and3A_218 : i32 to vector<16xi32>
        %and3A_220 = arith.andi %add3A_217, %and3A_219 : vector<16xi32>
        %xor3A_221 = arith.constant 8 : i32
        %xor3A_222 = vector.broadcast %xor3A_221 : i32 to vector<16xi32>
        %xor3A_223 = arith.xori %and3A_220, %xor3A_222 : vector<16xi32>
        %or3A_224 = arith.ori %scan3A_114, %and3A_220 : vector<16xi32>
        %xor3A_225 = arith.constant 8 : i32
        %xor3A_226 = vector.broadcast %xor3A_225 : i32 to vector<16xi32>
        %xor3A_227 = arith.xori %or3A_224, %xor3A_226 : vector<16xi32>
        %gather3A_228 = tpu.vector_load_idx %arg5[%or3A_224] : memref<8192xf32, #tpu.memory_space<vmem>>[vector<16xi32>], vector<16xf32>,
        %gather3A_229 = tpu.vector_load_idx %arg6[%or3A_224] : memref<8192xf32, #tpu.memory_space<vmem>>[vector<16xi32>], vector<16xf32>,
        %gather3A_230 = tpu.vector_load_idx %arg5[%xor3A_227] : memref<8192xf32, #tpu.memory_space<vmem>>[vector<16xi32>], vector<16xf32>,
        %gather3A_231 = tpu.vector_load_idx %arg6[%xor3A_227] : memref<8192xf32, #tpu.memory_space<vmem>>[vector<16xi32>], vector<16xf32>,
        %add3A_232 = arith.constant 5 : i32
        %add3A_233 = vector.broadcast %add3A_232 : i32 to vector<16xi32>
        %add3A_234 = arith.addi %iota3A, %add3A_233 : vector<16xi32>
        %and3A_235 = arith.constant 15 : i32
        %and3A_236 = vector.broadcast %and3A_235 : i32 to vector<16xi32>
        %and3A_237 = arith.andi %add3A_234, %and3A_236 : vector<16xi32>
        %xor3A_238 = arith.constant 8 : i32
        %xor3A_239 = vector.broadcast %xor3A_238 : i32 to vector<16xi32>
        %xor3A_240 = arith.xori %and3A_237, %xor3A_239 : vector<16xi32>
        %or3A_241 = arith.ori %scan3A_114, %and3A_237 : vector<16xi32>
        %xor3A_242 = arith.constant 8 : i32
        %xor3A_243 = vector.broadcast %xor3A_242 : i32 to vector<16xi32>
        %xor3A_244 = arith.xori %or3A_241, %xor3A_243 : vector<16xi32>
        %gather3A_245 = tpu.vector_load_idx %arg5[%or3A_241] : memref<8192xf32, #tpu.memory_space<vmem>>[vector<16xi32>], vector<16xf32>,
        %gather3A_246 = tpu.vector_load_idx %arg6[%or3A_241] : memref<8192xf32, #tpu.memory_space<vmem>>[vector<16xi32>], vector<16xf32>,
        %gather3A_247 = tpu.vector_load_idx %arg5[%xor3A_244] : memref<8192xf32, #tpu.memory_space<vmem>>[vector<16xi32>], vector<16xf32>,
        %gather3A_248 = tpu.vector_load_idx %arg6[%xor3A_244] : memref<8192xf32, #tpu.memory_space<vmem>>[vector<16xi32>], vector<16xf32>,
        %add3A_249 = arith.constant 6 : i32
        %add3A_250 = vector.broadcast %add3A_249 : i32 to vector<16xi32>
        %add3A_251 = arith.addi %iota3A, %add3A_250 : vector<16xi32>
        %and3A_252 = arith.constant 15 : i32
        %and3A_253 = vector.broadcast %and3A_252 : i32 to vector<16xi32>
        %and3A_254 = arith.andi %add3A_251, %and3A_253 : vector<16xi32>
        %xor3A_255 = arith.constant 8 : i32
        %xor3A_256 = vector.broadcast %xor3A_255 : i32 to vector<16xi32>
        %xor3A_257 = arith.xori %and3A_254, %xor3A_256 : vector<16xi32>
        %or3A_258 = arith.ori %scan3A_114, %and3A_254 : vector<16xi32>
        %xor3A_259 = arith.constant 8 : i32
        %xor3A_260 = vector.broadcast %xor3A_259 : i32 to vector<16xi32>
        %xor3A_261 = arith.xori %or3A_258, %xor3A_260 : vector<16xi32>
        %gather3A_262 = tpu.vector_load_idx %arg5[%or3A_258] : memref<8192xf32, #tpu.memory_space<vmem>>[vector<16xi32>], vector<16xf32>,
        %gather3A_263 = tpu.vector_load_idx %arg6[%or3A_258] : memref<8192xf32, #tpu.memory_space<vmem>>[vector<16xi32>], vector<16xf32>,
        %gather3A_264 = tpu.vector_load_idx %arg5[%xor3A_261] : memref<8192xf32, #tpu.memory_space<vmem>>[vector<16xi32>], vector<16xf32>,
        %gather3A_265 = tpu.vector_load_idx %arg6[%xor3A_261] : memref<8192xf32, #tpu.memory_space<vmem>>[vector<16xi32>], vector<16xf32>,
        %add3A_266 = arith.constant 7 : i32
        %add3A_267 = vector.broadcast %add3A_266 : i32 to vector<16xi32>
        %add3A_268 = arith.addi %iota3A, %add3A_267 : vector<16xi32>
        %and3A_269 = arith.constant 15 : i32
        %and3A_270 = vector.broadcast %and3A_269 : i32 to vector<16xi32>
        %and3A_271 = arith.andi %add3A_268, %and3A_270 : vector<16xi32>
        %xor3A_272 = arith.constant 8 : i32
        %xor3A_273 = vector.broadcast %xor3A_272 : i32 to vector<16xi32>
        %xor3A_274 = arith.xori %and3A_271, %xor3A_273 : vector<16xi32>
        %or3A_275 = arith.ori %scan3A_114, %and3A_271 : vector<16xi32>
        %xor3A_276 = arith.constant 8 : i32
        %xor3A_277 = vector.broadcast %xor3A_276 : i32 to vector<16xi32>
        %xor3A_278 = arith.xori %or3A_275, %xor3A_277 : vector<16xi32>
        %gather3A_279 = tpu.vector_load_idx %arg5[%or3A_275] : memref<8192xf32, #tpu.memory_space<vmem>>[vector<16xi32>], vector<16xf32>,
        %gather3A_280 = tpu.vector_load_idx %arg6[%or3A_275] : memref<8192xf32, #tpu.memory_space<vmem>>[vector<16xi32>], vector<16xf32>,
        %gather3A_281 = tpu.vector_load_idx %arg5[%xor3A_278] : memref<8192xf32, #tpu.memory_space<vmem>>[vector<16xi32>], vector<16xf32>,
        %gather3A_282 = tpu.vector_load_idx %arg6[%xor3A_278] : memref<8192xf32, #tpu.memory_space<vmem>>[vector<16xi32>], vector<16xf32>,
        %mul3A_283 = arith.mulf %scan3A_115, %gather3A_229 : vector<16xf32>
        %add3A_284 = arith.addf %gather3A_228, %mul3A_283 : vector<16xf32>
        tpu.vector_store_idx %arg9[%and3A_220, %add3A_134], %add3A_284 : memref<16x512xf32, #tpu.memory_space<vmem>>[vector<16xi32>, vector<16xi32>], vector<16xf32>,
        %mul3A_285 = arith.mulf %scan3A_115, %gather3A_231 : vector<16xf32>
        %add3A_286 = arith.addf %gather3A_230, %mul3A_285 : vector<16xf32>
        tpu.vector_store_idx %arg9[%xor3A_223, %add3A_134], %add3A_286 : memref<16x512xf32, #tpu.memory_space<vmem>>[vector<16xi32>, vector<16xi32>], vector<16xf32>,
        %mul3A_287 = arith.mulf %scan3A_115, %gather3A_246 : vector<16xf32>
        %add3A_288 = arith.addf %gather3A_245, %mul3A_287 : vector<16xf32>
        tpu.vector_store_idx %arg9[%and3A_237, %add3A_134], %add3A_288 : memref<16x512xf32, #tpu.memory_space<vmem>>[vector<16xi32>, vector<16xi32>], vector<16xf32>,
        %mul3A_289 = arith.mulf %scan3A_115, %gather3A_248 : vector<16xf32>
        %add3A_290 = arith.addf %gather3A_247, %mul3A_289 : vector<16xf32>
        tpu.vector_store_idx %arg9[%xor3A_240, %add3A_134], %add3A_290 : memref<16x512xf32, #tpu.memory_space<vmem>>[vector<16xi32>, vector<16xi32>], vector<16xf32>,
        %mul3A_291 = arith.mulf %scan3A_115, %gather3A_263 : vector<16xf32>
        %add3A_292 = arith.addf %gather3A_262, %mul3A_291 : vector<16xf32>
        tpu.vector_store_idx %arg9[%and3A_254, %add3A_134], %add3A_292 : memref<16x512xf32, #tpu.memory_space<vmem>>[vector<16xi32>, vector<16xi32>], vector<16xf32>,
        %mul3A_293 = arith.mulf %scan3A_115, %gather3A_265 : vector<16xf32>
        %add3A_294 = arith.addf %gather3A_264, %mul3A_293 : vector<16xf32>
        tpu.vector_store_idx %arg9[%xor3A_257, %add3A_134], %add3A_294 : memref<16x512xf32, #tpu.memory_space<vmem>>[vector<16xi32>, vector<16xi32>], vector<16xf32>,
        %mul3A_295 = arith.mulf %scan3A_115, %gather3A_280 : vector<16xf32>
        %add3A_296 = arith.addf %gather3A_279, %mul3A_295 : vector<16xf32>
        tpu.vector_store_idx %arg9[%and3A_271, %add3A_134], %add3A_296 : memref<16x512xf32, #tpu.memory_space<vmem>>[vector<16xi32>, vector<16xi32>], vector<16xf32>,
        %mul3A_297 = arith.mulf %scan3A_115, %gather3A_282 : vector<16xf32>
        %add3A_298 = arith.addf %gather3A_281, %mul3A_297 : vector<16xf32>
        tpu.vector_store_idx %arg9[%xor3A_274, %add3A_134], %add3A_298 : memref<16x512xf32, #tpu.memory_space<vmem>>[vector<16xi32>, vector<16xi32>], vector<16xf32>,
        scf.yield %mul3A_130, %sub3A_127 : vector<16xi32>, vector<16xf32>
      }
      %scan3A_71 = arith.constant 32 : i32
      %dma_start3A_72 = arith.constant 0 : i32
      %dma_start3A_73 = tpu.memref_slice %arg4[%dma_start3A_72, %add3A_40] : memref<16x819200xf32, #tpu.memory_space<hbm>> -> memref<16x512xf32, #tpu.memory_space<hbm>>
      %dma_start3A_74 = arith.constant 0 : i32
      %dma_start3A_75 = tpu.memref_slice %arg4[%dma_start3A_74, %add3A_40] : memref<16x819200xf32, #tpu.memory_space<hbm>> -> memref<16x512xf32, #tpu.memory_space<hbm>>
      tpu.enqueue_dma source(%arg9 : memref<16x512xf32, #tpu.memory_space<vmem>>) target(%dma_start3A_75 : memref<16x512xf32, #tpu.memory_space<hbm>>) target_semaphore(%arg13 : memref<!tpu.dma_semaphore, #tpu.memory_space<semaphore_mem>>)
      %dma_wait3A_76 = arith.constant 0 : i32
      %dma_wait3A_77 = tpu.memref_slice %arg8[%dma_wait3A_76] : memref<544xf32, #tpu.memory_space<vmem>> -> memref<512xf32, #tpu.memory_space<vmem>>
      %dma_wait3A_78 = tpu.memref_slice %arg2[%add3A_42] : memref<819200xf32, #tpu.memory_space<hbm>> -> memref<512xf32, #tpu.memory_space<hbm>>
      %dma_wait3A_79 = arith.constant 0 : i32
      %dma_wait3A_80 = tpu.memref_slice %arg8[%dma_wait3A_79] : memref<544xf32, #tpu.memory_space<vmem>> -> memref<512xf32, #tpu.memory_space<vmem>>
      %dma_wait3A_81 = tpu.memref_slice %arg2[%add3A_42] : memref<819200xf32, #tpu.memory_space<hbm>> -> memref<512xf32, #tpu.memory_space<hbm>>
      tpu.wait_dma2 semaphore(%arg12 : memref<!tpu.dma_semaphore, #tpu.memory_space<semaphore_mem>>) src(%dma_wait3A_81 : memref<512xf32, #tpu.memory_space<hbm>>) dst(%dma_wait3A_80 : memref<512xf32, #tpu.memory_space<vmem>>)
      %lt3A = arith.constant 24 : i32
      %lt3A_82 = arith.cmpi slt, %scan3A_34, %lt3A : i32
      %convert_element_type3A_83 = arith.extui %lt3A_82 : i1 to i32
      %cond3A_84 = arith.constant 0 : i32
      %cond3A_85 = arith.cmpi ne, %convert_element_type3A_83, %cond3A_84 : i32
      scf.if %cond3A_85 {
        %add3A_113 = arith.constant 1024 : i32
        %add3A_114 = arith.addi %add3A_40, %add3A_113 : i32
        %dma_start3A_115 = arith.constant 0 : i32
        %dma_start3A_116 = tpu.memref_slice %arg7[%dma_start3A_115] : memref<544xf32, #tpu.memory_space<vmem>> -> memref<512xf32, #tpu.memory_space<vmem>>
        %dma_start3A_117 = tpu.memref_slice %arg2[%add3A_114] : memref<819200xf32, #tpu.memory_space<hbm>> -> memref<512xf32, #tpu.memory_space<hbm>>
        %dma_start3A_118 = arith.constant 0 : i32
        %dma_start3A_119 = tpu.memref_slice %arg7[%dma_start3A_118] : memref<544xf32, #tpu.memory_space<vmem>> -> memref<512xf32, #tpu.memory_space<vmem>>
        %dma_start3A_120 = tpu.memref_slice %arg2[%add3A_114] : memref<819200xf32, #tpu.memory_space<hbm>> -> memref<512xf32, #tpu.memory_space<hbm>>
        tpu.enqueue_dma source(%dma_start3A_120 : memref<512xf32, #tpu.memory_space<hbm>>) target(%dma_start3A_119 : memref<512xf32, #tpu.memory_space<vmem>>) target_semaphore(%arg11 : memref<!tpu.dma_semaphore, #tpu.memory_space<semaphore_mem>>)
      } else {
      }
      %gt3A_86 = arith.constant 0 : i32
      %gt3A_87 = arith.cmpi sgt, %scan3A_34, %gt3A_86 : i32
      %convert_element_type3A_88 = arith.extui %gt3A_87 : i1 to i32
      %cond3A_89 = arith.constant 0 : i32
      %cond3A_90 = arith.cmpi ne, %convert_element_type3A_88, %cond3A_89 : i32
      scf.if %cond3A_90 {
        %sub3A_113 = arith.constant 1024 : i32
        %sub3A_114 = arith.subi %add3A_42, %sub3A_113 : i32
        %dma_wait3A_115 = arith.constant 0 : i32
        %dma_wait3A_116 = tpu.memref_slice %arg4[%dma_wait3A_115, %sub3A_114] : memref<16x819200xf32, #tpu.memory_space<hbm>> -> memref<16x512xf32, #tpu.memory_space<hbm>>
        %dma_wait3A_117 = arith.constant 0 : i32
        %dma_wait3A_118 = tpu.memref_slice %arg4[%dma_wait3A_117, %sub3A_114] : memref<16x819200xf32, #tpu.memory_space<hbm>> -> memref<16x512xf32, #tpu.memory_space<hbm>>
        tpu.wait_dma2 semaphore(%arg14 : memref<!tpu.dma_semaphore, #tpu.memory_space<semaphore_mem>>) src(%arg10 : memref<16x512xf32, #tpu.memory_space<vmem>>) dst(%dma_wait3A_118 : memref<16x512xf32, #tpu.memory_space<hbm>>)
      } else {
      }
      %get3A_91 = arith.constant 0 : index
      %get3A_92 = tpu.vector_load %arg8[%get3A_91] {strides = array<i32>} : memref<544xf32, #tpu.memory_space<vmem>>, vector<16xf32>,
      %mul3A_93 = arith.constant 5.110000e+02 : f32
      %mul3A_94 = vector.broadcast %mul3A_93 : f32 to vector<16xf32>
      %mul3A_95 = arith.mulf %get3A_92, %mul3A_94 : vector<16xf32>
      %convert_element_type3A_96 = arith.fptosi %mul3A_95 : vector<16xf32> to vector<16xi32>
      %convert_element_type3A_97 = arith.sitofp %convert_element_type3A_96 : vector<16xi32> to vector<16xf32>
      %sub3A_98 = arith.subf %mul3A_95, %convert_element_type3A_97 : vector<16xf32>
      %mul3A_99 = arith.constant 16 : i32
      %mul3A_100 = vector.broadcast %mul3A_99 : i32 to vector<16xi32>
      %mul3A_101 = arith.muli %convert_element_type3A_96, %mul3A_100 : vector<16xi32>
      %scan3A_102 = arith.constant 0 : i32
      %scan3A_103 = arith.constant 32 : i32
      %scan3A_104 = arith.addi %scan3A_102, %scan3A_103 : i32
      %scan3A_105 = arith.constant 1 : i32
      %scan3A_106:2 = scf.for %scan3A_113 = %scan3A_102 to %scan3A_104 step %scan3A_105 iter_args(%scan3A_114 = %mul3A_101, %scan3A_115 = %sub3A_98) -> (vector<16xi32>, vector<16xf32>)  : i32 {
        %add3A_116 = arith.constant 1 : i32
        %add3A_117 = arith.addi %scan3A_113, %add3A_116 : i32
        %mul3A_118 = arith.constant 16 : i32
        %mul3A_119 = arith.muli %add3A_117, %mul3A_118 : i32
        %get3A_120 = arith.index_cast %mul3A_119 : i32 to index
        %get3A_121 = tpu.vector_load %arg8[%get3A_120] {strides = array<i32>} : memref<544xf32, #tpu.memory_space<vmem>>, vector<16xf32>,
        %mul3A_122 = arith.constant 5.110000e+02 : f32
        %mul3A_123 = vector.broadcast %mul3A_122 : f32 to vector<16xf32>
        %mul3A_124 = arith.mulf %get3A_121, %mul3A_123 : vector<16xf32>
        %convert_element_type3A_125 = arith.fptosi %mul3A_124 : vector<16xf32> to vector<16xi32>
        %convert_element_type3A_126 = arith.sitofp %convert_element_type3A_125 : vector<16xi32> to vector<16xf32>
        %sub3A_127 = arith.subf %mul3A_124, %convert_element_type3A_126 : vector<16xf32>
        %mul3A_128 = arith.constant 16 : i32
        %mul3A_129 = vector.broadcast %mul3A_128 : i32 to vector<16xi32>
        %mul3A_130 = arith.muli %convert_element_type3A_125, %mul3A_129 : vector<16xi32>
        %mul3A_131 = arith.constant 16 : i32
        %mul3A_132 = arith.muli %scan3A_113, %mul3A_131 : i32
        %add3A_133 = vector.broadcast %mul3A_132 : i32 to vector<16xi32>
        %add3A_134 = arith.addi %add3A_133, %iota3A : vector<16xi32>
        %add3A_135 = arith.constant 0 : i32
        %add3A_136 = vector.broadcast %add3A_135 : i32 to vector<16xi32>
        %add3A_137 = arith.addi %iota3A, %add3A_136 : vector<16xi32>
        %and3A = arith.constant 15 : i32
        %and3A_138 = vector.broadcast %and3A : i32 to vector<16xi32>
        %and3A_139 = arith.andi %add3A_137, %and3A_138 : vector<16xi32>
        %xor3A = arith.constant 8 : i32
        %xor3A_140 = vector.broadcast %xor3A : i32 to vector<16xi32>
        %xor3A_141 = arith.xori %and3A_139, %xor3A_140 : vector<16xi32>
        %or3A = arith.ori %scan3A_114, %and3A_139 : vector<16xi32>
        %xor3A_142 = arith.constant 8 : i32
        %xor3A_143 = vector.broadcast %xor3A_142 : i32 to vector<16xi32>
        %xor3A_144 = arith.xori %or3A, %xor3A_143 : vector<16xi32>
        %gather3A = tpu.vector_load_idx %arg5[%or3A] : memref<8192xf32, #tpu.memory_space<vmem>>[vector<16xi32>], vector<16xf32>,
        %gather3A_145 = tpu.vector_load_idx %arg6[%or3A] : memref<8192xf32, #tpu.memory_space<vmem>>[vector<16xi32>], vector<16xf32>,
        %gather3A_146 = tpu.vector_load_idx %arg5[%xor3A_144] : memref<8192xf32, #tpu.memory_space<vmem>>[vector<16xi32>], vector<16xf32>,
        %gather3A_147 = tpu.vector_load_idx %arg6[%xor3A_144] : memref<8192xf32, #tpu.memory_space<vmem>>[vector<16xi32>], vector<16xf32>,
        %add3A_148 = arith.constant 1 : i32
        %add3A_149 = vector.broadcast %add3A_148 : i32 to vector<16xi32>
        %add3A_150 = arith.addi %iota3A, %add3A_149 : vector<16xi32>
        %and3A_151 = arith.constant 15 : i32
        %and3A_152 = vector.broadcast %and3A_151 : i32 to vector<16xi32>
        %and3A_153 = arith.andi %add3A_150, %and3A_152 : vector<16xi32>
        %xor3A_154 = arith.constant 8 : i32
        %xor3A_155 = vector.broadcast %xor3A_154 : i32 to vector<16xi32>
        %xor3A_156 = arith.xori %and3A_153, %xor3A_155 : vector<16xi32>
        %or3A_157 = arith.ori %scan3A_114, %and3A_153 : vector<16xi32>
        %xor3A_158 = arith.constant 8 : i32
        %xor3A_159 = vector.broadcast %xor3A_158 : i32 to vector<16xi32>
        %xor3A_160 = arith.xori %or3A_157, %xor3A_159 : vector<16xi32>
        %gather3A_161 = tpu.vector_load_idx %arg5[%or3A_157] : memref<8192xf32, #tpu.memory_space<vmem>>[vector<16xi32>], vector<16xf32>,
        %gather3A_162 = tpu.vector_load_idx %arg6[%or3A_157] : memref<8192xf32, #tpu.memory_space<vmem>>[vector<16xi32>], vector<16xf32>,
        %gather3A_163 = tpu.vector_load_idx %arg5[%xor3A_160] : memref<8192xf32, #tpu.memory_space<vmem>>[vector<16xi32>], vector<16xf32>,
        %gather3A_164 = tpu.vector_load_idx %arg6[%xor3A_160] : memref<8192xf32, #tpu.memory_space<vmem>>[vector<16xi32>], vector<16xf32>,
        %add3A_165 = arith.constant 2 : i32
        %add3A_166 = vector.broadcast %add3A_165 : i32 to vector<16xi32>
        %add3A_167 = arith.addi %iota3A, %add3A_166 : vector<16xi32>
        %and3A_168 = arith.constant 15 : i32
        %and3A_169 = vector.broadcast %and3A_168 : i32 to vector<16xi32>
        %and3A_170 = arith.andi %add3A_167, %and3A_169 : vector<16xi32>
        %xor3A_171 = arith.constant 8 : i32
        %xor3A_172 = vector.broadcast %xor3A_171 : i32 to vector<16xi32>
        %xor3A_173 = arith.xori %and3A_170, %xor3A_172 : vector<16xi32>
        %or3A_174 = arith.ori %scan3A_114, %and3A_170 : vector<16xi32>
        %xor3A_175 = arith.constant 8 : i32
        %xor3A_176 = vector.broadcast %xor3A_175 : i32 to vector<16xi32>
        %xor3A_177 = arith.xori %or3A_174, %xor3A_176 : vector<16xi32>
        %gather3A_178 = tpu.vector_load_idx %arg5[%or3A_174] : memref<8192xf32, #tpu.memory_space<vmem>>[vector<16xi32>], vector<16xf32>,
        %gather3A_179 = tpu.vector_load_idx %arg6[%or3A_174] : memref<8192xf32, #tpu.memory_space<vmem>>[vector<16xi32>], vector<16xf32>,
        %gather3A_180 = tpu.vector_load_idx %arg5[%xor3A_177] : memref<8192xf32, #tpu.memory_space<vmem>>[vector<16xi32>], vector<16xf32>,
        %gather3A_181 = tpu.vector_load_idx %arg6[%xor3A_177] : memref<8192xf32, #tpu.memory_space<vmem>>[vector<16xi32>], vector<16xf32>,
        %add3A_182 = arith.constant 3 : i32
        %add3A_183 = vector.broadcast %add3A_182 : i32 to vector<16xi32>
        %add3A_184 = arith.addi %iota3A, %add3A_183 : vector<16xi32>
        %and3A_185 = arith.constant 15 : i32
        %and3A_186 = vector.broadcast %and3A_185 : i32 to vector<16xi32>
        %and3A_187 = arith.andi %add3A_184, %and3A_186 : vector<16xi32>
        %xor3A_188 = arith.constant 8 : i32
        %xor3A_189 = vector.broadcast %xor3A_188 : i32 to vector<16xi32>
        %xor3A_190 = arith.xori %and3A_187, %xor3A_189 : vector<16xi32>
        %or3A_191 = arith.ori %scan3A_114, %and3A_187 : vector<16xi32>
        %xor3A_192 = arith.constant 8 : i32
        %xor3A_193 = vector.broadcast %xor3A_192 : i32 to vector<16xi32>
        %xor3A_194 = arith.xori %or3A_191, %xor3A_193 : vector<16xi32>
        %gather3A_195 = tpu.vector_load_idx %arg5[%or3A_191] : memref<8192xf32, #tpu.memory_space<vmem>>[vector<16xi32>], vector<16xf32>,
        %gather3A_196 = tpu.vector_load_idx %arg6[%or3A_191] : memref<8192xf32, #tpu.memory_space<vmem>>[vector<16xi32>], vector<16xf32>,
        %gather3A_197 = tpu.vector_load_idx %arg5[%xor3A_194] : memref<8192xf32, #tpu.memory_space<vmem>>[vector<16xi32>], vector<16xf32>,
        %gather3A_198 = tpu.vector_load_idx %arg6[%xor3A_194] : memref<8192xf32, #tpu.memory_space<vmem>>[vector<16xi32>], vector<16xf32>,
        %mul3A_199 = arith.mulf %scan3A_115, %gather3A_145 : vector<16xf32>
        %add3A_200 = arith.addf %gather3A, %mul3A_199 : vector<16xf32>
        tpu.vector_store_idx %arg10[%and3A_139, %add3A_134], %add3A_200 : memref<16x512xf32, #tpu.memory_space<vmem>>[vector<16xi32>, vector<16xi32>], vector<16xf32>,
        %mul3A_201 = arith.mulf %scan3A_115, %gather3A_147 : vector<16xf32>
        %add3A_202 = arith.addf %gather3A_146, %mul3A_201 : vector<16xf32>
        tpu.vector_store_idx %arg10[%xor3A_141, %add3A_134], %add3A_202 : memref<16x512xf32, #tpu.memory_space<vmem>>[vector<16xi32>, vector<16xi32>], vector<16xf32>,
        %mul3A_203 = arith.mulf %scan3A_115, %gather3A_162 : vector<16xf32>
        %add3A_204 = arith.addf %gather3A_161, %mul3A_203 : vector<16xf32>
        tpu.vector_store_idx %arg10[%and3A_153, %add3A_134], %add3A_204 : memref<16x512xf32, #tpu.memory_space<vmem>>[vector<16xi32>, vector<16xi32>], vector<16xf32>,
        %mul3A_205 = arith.mulf %scan3A_115, %gather3A_164 : vector<16xf32>
        %add3A_206 = arith.addf %gather3A_163, %mul3A_205 : vector<16xf32>
        tpu.vector_store_idx %arg10[%xor3A_156, %add3A_134], %add3A_206 : memref<16x512xf32, #tpu.memory_space<vmem>>[vector<16xi32>, vector<16xi32>], vector<16xf32>,
        %mul3A_207 = arith.mulf %scan3A_115, %gather3A_179 : vector<16xf32>
        %add3A_208 = arith.addf %gather3A_178, %mul3A_207 : vector<16xf32>
        tpu.vector_store_idx %arg10[%and3A_170, %add3A_134], %add3A_208 : memref<16x512xf32, #tpu.memory_space<vmem>>[vector<16xi32>, vector<16xi32>], vector<16xf32>,
        %mul3A_209 = arith.mulf %scan3A_115, %gather3A_181 : vector<16xf32>
        %add3A_210 = arith.addf %gather3A_180, %mul3A_209 : vector<16xf32>
        tpu.vector_store_idx %arg10[%xor3A_173, %add3A_134], %add3A_210 : memref<16x512xf32, #tpu.memory_space<vmem>>[vector<16xi32>, vector<16xi32>], vector<16xf32>,
        %mul3A_211 = arith.mulf %scan3A_115, %gather3A_196 : vector<16xf32>
        %add3A_212 = arith.addf %gather3A_195, %mul3A_211 : vector<16xf32>
        tpu.vector_store_idx %arg10[%and3A_187, %add3A_134], %add3A_212 : memref<16x512xf32, #tpu.memory_space<vmem>>[vector<16xi32>, vector<16xi32>], vector<16xf32>,
        %mul3A_213 = arith.mulf %scan3A_115, %gather3A_198 : vector<16xf32>
        %add3A_214 = arith.addf %gather3A_197, %mul3A_213 : vector<16xf32>
        tpu.vector_store_idx %arg10[%xor3A_190, %add3A_134], %add3A_214 : memref<16x512xf32, #tpu.memory_space<vmem>>[vector<16xi32>, vector<16xi32>], vector<16xf32>,
        %add3A_215 = arith.constant 4 : i32
        %add3A_216 = vector.broadcast %add3A_215 : i32 to vector<16xi32>
        %add3A_217 = arith.addi %iota3A, %add3A_216 : vector<16xi32>
        %and3A_218 = arith.constant 15 : i32
        %and3A_219 = vector.broadcast %and3A_218 : i32 to vector<16xi32>
        %and3A_220 = arith.andi %add3A_217, %and3A_219 : vector<16xi32>
        %xor3A_221 = arith.constant 8 : i32
        %xor3A_222 = vector.broadcast %xor3A_221 : i32 to vector<16xi32>
        %xor3A_223 = arith.xori %and3A_220, %xor3A_222 : vector<16xi32>
        %or3A_224 = arith.ori %scan3A_114, %and3A_220 : vector<16xi32>
        %xor3A_225 = arith.constant 8 : i32
        %xor3A_226 = vector.broadcast %xor3A_225 : i32 to vector<16xi32>
        %xor3A_227 = arith.xori %or3A_224, %xor3A_226 : vector<16xi32>
        %gather3A_228 = tpu.vector_load_idx %arg5[%or3A_224] : memref<8192xf32, #tpu.memory_space<vmem>>[vector<16xi32>], vector<16xf32>,
        %gather3A_229 = tpu.vector_load_idx %arg6[%or3A_224] : memref<8192xf32, #tpu.memory_space<vmem>>[vector<16xi32>], vector<16xf32>,
        %gather3A_230 = tpu.vector_load_idx %arg5[%xor3A_227] : memref<8192xf32, #tpu.memory_space<vmem>>[vector<16xi32>], vector<16xf32>,
        %gather3A_231 = tpu.vector_load_idx %arg6[%xor3A_227] : memref<8192xf32, #tpu.memory_space<vmem>>[vector<16xi32>], vector<16xf32>,
        %add3A_232 = arith.constant 5 : i32
        %add3A_233 = vector.broadcast %add3A_232 : i32 to vector<16xi32>
        %add3A_234 = arith.addi %iota3A, %add3A_233 : vector<16xi32>
        %and3A_235 = arith.constant 15 : i32
        %and3A_236 = vector.broadcast %and3A_235 : i32 to vector<16xi32>
        %and3A_237 = arith.andi %add3A_234, %and3A_236 : vector<16xi32>
        %xor3A_238 = arith.constant 8 : i32
        %xor3A_239 = vector.broadcast %xor3A_238 : i32 to vector<16xi32>
        %xor3A_240 = arith.xori %and3A_237, %xor3A_239 : vector<16xi32>
        %or3A_241 = arith.ori %scan3A_114, %and3A_237 : vector<16xi32>
        %xor3A_242 = arith.constant 8 : i32
        %xor3A_243 = vector.broadcast %xor3A_242 : i32 to vector<16xi32>
        %xor3A_244 = arith.xori %or3A_241, %xor3A_243 : vector<16xi32>
        %gather3A_245 = tpu.vector_load_idx %arg5[%or3A_241] : memref<8192xf32, #tpu.memory_space<vmem>>[vector<16xi32>], vector<16xf32>,
        %gather3A_246 = tpu.vector_load_idx %arg6[%or3A_241] : memref<8192xf32, #tpu.memory_space<vmem>>[vector<16xi32>], vector<16xf32>,
        %gather3A_247 = tpu.vector_load_idx %arg5[%xor3A_244] : memref<8192xf32, #tpu.memory_space<vmem>>[vector<16xi32>], vector<16xf32>,
        %gather3A_248 = tpu.vector_load_idx %arg6[%xor3A_244] : memref<8192xf32, #tpu.memory_space<vmem>>[vector<16xi32>], vector<16xf32>,
        %add3A_249 = arith.constant 6 : i32
        %add3A_250 = vector.broadcast %add3A_249 : i32 to vector<16xi32>
        %add3A_251 = arith.addi %iota3A, %add3A_250 : vector<16xi32>
        %and3A_252 = arith.constant 15 : i32
        %and3A_253 = vector.broadcast %and3A_252 : i32 to vector<16xi32>
        %and3A_254 = arith.andi %add3A_251, %and3A_253 : vector<16xi32>
        %xor3A_255 = arith.constant 8 : i32
        %xor3A_256 = vector.broadcast %xor3A_255 : i32 to vector<16xi32>
        %xor3A_257 = arith.xori %and3A_254, %xor3A_256 : vector<16xi32>
        %or3A_258 = arith.ori %scan3A_114, %and3A_254 : vector<16xi32>
        %xor3A_259 = arith.constant 8 : i32
        %xor3A_260 = vector.broadcast %xor3A_259 : i32 to vector<16xi32>
        %xor3A_261 = arith.xori %or3A_258, %xor3A_260 : vector<16xi32>
        %gather3A_262 = tpu.vector_load_idx %arg5[%or3A_258] : memref<8192xf32, #tpu.memory_space<vmem>>[vector<16xi32>], vector<16xf32>,
        %gather3A_263 = tpu.vector_load_idx %arg6[%or3A_258] : memref<8192xf32, #tpu.memory_space<vmem>>[vector<16xi32>], vector<16xf32>,
        %gather3A_264 = tpu.vector_load_idx %arg5[%xor3A_261] : memref<8192xf32, #tpu.memory_space<vmem>>[vector<16xi32>], vector<16xf32>,
        %gather3A_265 = tpu.vector_load_idx %arg6[%xor3A_261] : memref<8192xf32, #tpu.memory_space<vmem>>[vector<16xi32>], vector<16xf32>,
        %add3A_266 = arith.constant 7 : i32
        %add3A_267 = vector.broadcast %add3A_266 : i32 to vector<16xi32>
        %add3A_268 = arith.addi %iota3A, %add3A_267 : vector<16xi32>
        %and3A_269 = arith.constant 15 : i32
        %and3A_270 = vector.broadcast %and3A_269 : i32 to vector<16xi32>
        %and3A_271 = arith.andi %add3A_268, %and3A_270 : vector<16xi32>
        %xor3A_272 = arith.constant 8 : i32
        %xor3A_273 = vector.broadcast %xor3A_272 : i32 to vector<16xi32>
        %xor3A_274 = arith.xori %and3A_271, %xor3A_273 : vector<16xi32>
        %or3A_275 = arith.ori %scan3A_114, %and3A_271 : vector<16xi32>
        %xor3A_276 = arith.constant 8 : i32
        %xor3A_277 = vector.broadcast %xor3A_276 : i32 to vector<16xi32>
        %xor3A_278 = arith.xori %or3A_275, %xor3A_277 : vector<16xi32>
        %gather3A_279 = tpu.vector_load_idx %arg5[%or3A_275] : memref<8192xf32, #tpu.memory_space<vmem>>[vector<16xi32>], vector<16xf32>,
        %gather3A_280 = tpu.vector_load_idx %arg6[%or3A_275] : memref<8192xf32, #tpu.memory_space<vmem>>[vector<16xi32>], vector<16xf32>,
        %gather3A_281 = tpu.vector_load_idx %arg5[%xor3A_278] : memref<8192xf32, #tpu.memory_space<vmem>>[vector<16xi32>], vector<16xf32>,
        %gather3A_282 = tpu.vector_load_idx %arg6[%xor3A_278] : memref<8192xf32, #tpu.memory_space<vmem>>[vector<16xi32>], vector<16xf32>,
        %mul3A_283 = arith.mulf %scan3A_115, %gather3A_229 : vector<16xf32>
        %add3A_284 = arith.addf %gather3A_228, %mul3A_283 : vector<16xf32>
        tpu.vector_store_idx %arg10[%and3A_220, %add3A_134], %add3A_284 : memref<16x512xf32, #tpu.memory_space<vmem>>[vector<16xi32>, vector<16xi32>], vector<16xf32>,
        %mul3A_285 = arith.mulf %scan3A_115, %gather3A_231 : vector<16xf32>
        %add3A_286 = arith.addf %gather3A_230, %mul3A_285 : vector<16xf32>
        tpu.vector_store_idx %arg10[%xor3A_223, %add3A_134], %add3A_286 : memref<16x512xf32, #tpu.memory_space<vmem>>[vector<16xi32>, vector<16xi32>], vector<16xf32>,
        %mul3A_287 = arith.mulf %scan3A_115, %gather3A_246 : vector<16xf32>
        %add3A_288 = arith.addf %gather3A_245, %mul3A_287 : vector<16xf32>
        tpu.vector_store_idx %arg10[%and3A_237, %add3A_134], %add3A_288 : memref<16x512xf32, #tpu.memory_space<vmem>>[vector<16xi32>, vector<16xi32>], vector<16xf32>,
        %mul3A_289 = arith.mulf %scan3A_115, %gather3A_248 : vector<16xf32>
        %add3A_290 = arith.addf %gather3A_247, %mul3A_289 : vector<16xf32>
        tpu.vector_store_idx %arg10[%xor3A_240, %add3A_134], %add3A_290 : memref<16x512xf32, #tpu.memory_space<vmem>>[vector<16xi32>, vector<16xi32>], vector<16xf32>,
        %mul3A_291 = arith.mulf %scan3A_115, %gather3A_263 : vector<16xf32>
        %add3A_292 = arith.addf %gather3A_262, %mul3A_291 : vector<16xf32>
        tpu.vector_store_idx %arg10[%and3A_254, %add3A_134], %add3A_292 : memref<16x512xf32, #tpu.memory_space<vmem>>[vector<16xi32>, vector<16xi32>], vector<16xf32>,
        %mul3A_293 = arith.mulf %scan3A_115, %gather3A_265 : vector<16xf32>
        %add3A_294 = arith.addf %gather3A_264, %mul3A_293 : vector<16xf32>
        tpu.vector_store_idx %arg10[%xor3A_257, %add3A_134], %add3A_294 : memref<16x512xf32, #tpu.memory_space<vmem>>[vector<16xi32>, vector<16xi32>], vector<16xf32>,
        %mul3A_295 = arith.mulf %scan3A_115, %gather3A_280 : vector<16xf32>
        %add3A_296 = arith.addf %gather3A_279, %mul3A_295 : vector<16xf32>
        tpu.vector_store_idx %arg10[%and3A_271, %add3A_134], %add3A_296 : memref<16x512xf32, #tpu.memory_space<vmem>>[vector<16xi32>, vector<16xi32>], vector<16xf32>,
        %mul3A_297 = arith.mulf %scan3A_115, %gather3A_282 : vector<16xf32>
        %add3A_298 = arith.addf %gather3A_281, %mul3A_297 : vector<16xf32>
        tpu.vector_store_idx %arg10[%xor3A_274, %add3A_134], %add3A_298 : memref<16x512xf32, #tpu.memory_space<vmem>>[vector<16xi32>, vector<16xi32>], vector<16xf32>,
        scf.yield %mul3A_130, %sub3A_127 : vector<16xi32>, vector<16xf32>
      }
      %scan3A_107 = arith.constant 32 : i32
      %dma_start3A_108 = arith.constant 0 : i32
      %dma_start3A_109 = tpu.memref_slice %arg4[%dma_start3A_108, %add3A_42] : memref<16x819200xf32, #tpu.memory_space<hbm>> -> memref<16x512xf32, #tpu.memory_space<hbm>>
      %dma_start3A_110 = arith.constant 0 : i32
      %dma_start3A_111 = tpu.memref_slice %arg4[%dma_start3A_110, %add3A_42] : memref<16x819200xf32, #tpu.memory_space<hbm>> -> memref<16x512xf32, #tpu.memory_space<hbm>>
      tpu.enqueue_dma source(%arg10 : memref<16x512xf32, #tpu.memory_space<vmem>>) target(%dma_start3A_111 : memref<16x512xf32, #tpu.memory_space<hbm>>) target_semaphore(%arg14 : memref<!tpu.dma_semaphore, #tpu.memory_space<semaphore_mem>>)
      %scan3A_112 = arith.constant 0 : i32
      scf.yield %scan3A_112 : i32
    }
    %scan3A_26 = arith.constant 25 : i32
    %dma_wait3A = arith.constant 0 : i32
    %dma_wait3A_27 = tpu.memref_slice %arg4[%dma_wait3A, %mul3A_2] : memref<16x819200xf32, #tpu.memory_space<hbm>> -> memref<16x512xf32, #tpu.memory_space<hbm>>
    %dma_wait3A_28 = arith.constant 0 : i32
    %dma_wait3A_29 = tpu.memref_slice %arg4[%dma_wait3A_28, %mul3A_2] : memref<16x819200xf32, #tpu.memory_space<hbm>> -> memref<16x512xf32, #tpu.memory_space<hbm>>
    tpu.wait_dma2 semaphore(%arg13 : memref<!tpu.dma_semaphore, #tpu.memory_space<semaphore_mem>>) src(%arg9 : memref<16x512xf32, #tpu.memory_space<vmem>>) dst(%dma_wait3A_29 : memref<16x512xf32, #tpu.memory_space<hbm>>)
    %dma_wait3A_30 = arith.constant 0 : i32
    %dma_wait3A_31 = tpu.memref_slice %arg4[%dma_wait3A_30, %mul3A_2] : memref<16x819200xf32, #tpu.memory_space<hbm>> -> memref<16x512xf32, #tpu.memory_space<hbm>>
    %dma_wait3A_32 = arith.constant 0 : i32
    %dma_wait3A_33 = tpu.memref_slice %arg4[%dma_wait3A_32, %mul3A_2] : memref<16x819200xf32, #tpu.memory_space<hbm>> -> memref<16x512xf32, #tpu.memory_space<hbm>>
    tpu.wait_dma2 semaphore(%arg14 : memref<!tpu.dma_semaphore, #tpu.memory_space<semaphore_mem>>) src(%arg10 : memref<16x512xf32, #tpu.memory_space<vmem>>) dst(%dma_wait3A_33 : memref<16x512xf32, #tpu.memory_space<hbm>>)
    return
  }
}

</mosaic_0001>

<sc_bundles>
// kernel: kernel.3.cloned.1.call-start
scs
__scs_entry_jumppad:
0x0: {  	(pc) =	sbr.rel $0x88, $3  }
0x1: {  	(tag) =	ssettag $0x0;
	lr =	simm.s32 $0x1  }
0x2: {  	[smem:$0x3F9F] =	sst lr;
	_ =	strace $0xD0000000  }
0x3: {  	_ = 	snop  }
0x4: {  	_ = 	snop  }
0x5: {  	_ = 	snop  }
0x6: {  	_ = 	snop  }
0x7: {  	_ = 	snop  }
__scs_overlays_trampoline_lowered:
0x8: {  	[smem:$0x3FAE] =	sst s0  }
0x9: {  	[smem:$0x3FAF] =	sst s1  }
0xa: {  	[smem:$0x3FB0] =	sst s2  }
0xb: {  	[smem:$0x3FB1] =	sst s3  }
0xc: {  	[smem:$0x3FB2] =	sst s4  }
0xd: {  	[smem:$0x3FB3] =	sst s5  }
0xe: {  	[smem:$0x3FB4] =	sst s6  }
0xf: {  	[smem:$0x3FB5] =	sst s7  }
0x10: {  	[smem:$0x3FB6] =	sst s8  }
0x11: {  	[smem:$0x3FB7] =	sst s9;
	s0 =	simm.s32 @!p0 $0x0  }
0x12: {  	s1 =	sld [smem:$0x3F9D];
	s0 =	simm.s32 @p0 $0x1  }
0x13: {  	[smem:$0x3FB8] =	sst s0;
	s0 =	simm.s32 @!p1 $0x0  }
0x14: {  	s2 =	sld [smem:$0x3F9C];
	s0 =	simm.s32 @p1 $0x1  }
0x15: {  	[smem:$0x3FB9] =	sst s0;
	s0 =	simm.s32 @!p2 $0x0  }
0x16: {  	s3 =	sld [smem:$0x3FDB];
	s0 =	simm.s32 @p2 $0x1  }
0x17: {  	s4 =	simm.s32 $0x1BF5;
	[smem:$0x3FBB] =	sst s0  }
0x18: {  	s0 =	sld [smem:$0x3F9E];
	_ =	swait.ge [sflag:s4], $0x0  }
0x19: {  	s7 =	sld [smem:$0x3F9F]  }
0x1a: {  	s8 =	sadd.s32 $0xFFFFE003, lr  }
0x1b: {  	s9 =	sadd.s32 $0xFFFFFEF7, lr;
	s5 =	simm.s32 $0xFFFFFFFF;
	p2 =	slt.u32 s8, $0xFFFFF086  }
0x1c: {  	p1 =	slt.u32 s9, $0xF7A;
	s5 =	simm.s32 @!p2 $0x0  }
0x1d: {  	s5 =	simm.s32 @p1 $0x1;
	p0 =	seq.s32 s7, s2  }
0x1e: {  	s7 =	smul.u32 @!p0 $0xF7A, s2;
	p2 =	seq.s32 @!p0 s5, $0x0  }
0x1f: {  	s9 =	smul.u32 $0xF7A, s1;
	s8 =	simm.s32 @!p0 $0x1BF5;
	p2 =	por !p2, p0  }
0x20: {  	[sflag:s8] =	ssyncset.s32 @!p0 $0xFFFFF086;
	s6 =	sadd.s32 @!p0 s3, s7;
	s7 =	simm.s32 @!p0 $0x108  }
0x21: {  	s3 =	sadd.s32 s3, s9;
	s6 =	sadd.s32 @!p0 $0x88, s6;
	s7 =	simm.s32 @p2 $0x1082  }
0x22: {  	[simem:s7], [sflag:s8] =	dma.local @!p0 [hbm:s6], $0xF7A  }
0x23: {  	s9 =	sor.u32 $0xD0000000, s2;
	s6 =	simm.s32 $0x108;
	_ =	swait.ge @!p0 [sflag:s8], $0x0  }
0x24: {  	s3 =	sadd.s32 $0x88, s3;
	s6 =	simm.s32 @!p1 $0x1082;
	[sflag:s4] =	ssyncset.s32 $0xFFFFF086  }
0x25: {  	[simem:s6], [sflag:s4] =	dma.local [hbm:s3], $0xF7A  }
0x26: {  	[smem:$0x3F9F] =	sst s1;
	(tag) =	ssettag s2;
	_ =	strace s9  }
0x27: {  	s1 =	sld [smem:$0x3FAF]  }
0x28: {  	s2 =	sld [smem:$0x3FB0]  }
0x29: {  	s4 =	sld [smem:$0x3FB2]  }
0x2a: {  	p0 =	seq.s32 s5, $0x0;
	s5 =	sld [smem:$0x3FB3]  }
0x2b: {  	s6 =	sld [smem:$0x3FB4]  }
0x2c: {  	s7 =	sld [smem:$0x3FB5]  }
0x2d: {  	s3 =	simm.s32 $0x108;
	s8 =	sld [smem:$0x3FB6]  }
0x2e: {  	s3 =	simm.s32 @!p0 $0x1082;
	s9 =	sld [smem:$0x3FB7]  }
0x2f: {  	lr =	sadd.s32 s0, s3;
	s0 =	sld [smem:$0x3FAE]  }
0x30: {  	s3 =	sld [smem:$0x3FB1]  }
0x31: {  	[smem:$0x3FBA] =	sst s10  }
0x32: {  	s10 =	sld [smem:$0x3FB8];
	_ =	sdelay $0x3  }
0x33: {  	p0 =	seq.s32 s10, $0x1;
	s10 =	sld [smem:$0x3FBA];
	_ =	sdelay $0x3  }
0x34: {  	[smem:$0x3FBA] =	sst s10  }
0x35: {  	s10 =	sld [smem:$0x3FB9];
	_ =	sdelay $0x3  }
0x36: {  	p1 =	seq.s32 s10, $0x1;
	s10 =	sld [smem:$0x3FBA];
	_ =	sdelay $0x3  }
0x37: {  	[smem:$0x3FBA] =	sst s10  }
0x38: {  	s10 =	sld [smem:$0x3FBB]  }
0x39: {  	_ = 	snop;
	(pc) =	sbr.ind lr, $3  }
0x3a: {  	_ = 	snop  }
0x3b: {  	_ = 	snop  }
0x3c: {  	p2 =	seq.s32 s10, $0x1;
	s10 =	sld [smem:$0x3FBA]  }
0x3d: {  	_ =	shalt  }
0x3e: {  	_ =	shalt  }
0x3f: {  	_ =	shalt  }
0x40: {  	_ =	shalt  }
0x41: {  	_ =	shalt  }
0x42: {  	_ =	shalt  }
0x43: {  	_ =	shalt  }
0x44: {  	_ =	shalt  }
0x45: {  	_ =	shalt  }
0x46: {  	_ =	shalt  }
0x47: {  	_ =	shalt  }
0x48: {  	_ =	shalt  }
0x49: {  	_ =	shalt  }
0x4a: {  	_ =	shalt  }
0x4b: {  	_ =	shalt  }
0x4c: {  	_ =	shalt  }
0x4d: {  	_ =	shalt  }
0x4e: {  	_ =	shalt  }
0x4f: {  	_ =	shalt  }
0x50: {  	_ =	shalt  }
0x51: {  	_ =	shalt  }
0x52: {  	_ =	shalt  }
0x53: {  	_ =	shalt  }
0x54: {  	_ =	shalt  }
0x55: {  	_ =	shalt  }
0x56: {  	_ =	shalt  }
0x57: {  	_ =	shalt  }
0x58: {  	_ =	shalt  }
0x59: {  	_ =	shalt  }
0x5a: {  	_ =	shalt  }
0x5b: {  	_ =	shalt  }
0x5c: {  	_ =	shalt  }
0x5d: {  	_ =	shalt  }
0x5e: {  	_ =	shalt  }
0x5f: {  	_ =	shalt  }
0x60: {  	_ =	shalt  }
0x61: {  	_ =	shalt  }
0x62: {  	_ =	shalt  }
0x63: {  	_ =	shalt  }
0x64: {  	_ =	shalt  }
0x65: {  	_ =	shalt  }
0x66: {  	_ =	shalt  }
0x67: {  	_ =	shalt  }
0x68: {  	_ =	shalt  }
0x69: {  	_ =	shalt  }
0x6a: {  	_ =	shalt  }
0x6b: {  	_ =	shalt  }
0x6c: {  	_ =	shalt  }
0x6d: {  	_ =	shalt  }
0x6e: {  	_ =	shalt  }
0x6f: {  	_ =	shalt  }
0x70: {  	_ =	shalt  }
0x71: {  	_ =	shalt  }
0x72: {  	_ =	shalt  }
0x73: {  	_ =	shalt  }
0x74: {  	_ =	shalt  }
0x75: {  	_ =	shalt  }
0x76: {  	_ =	shalt  }
0x77: {  	_ =	shalt  }
0x78: {  	_ =	shalt  }
0x79: {  	_ =	shalt  }
0x7a: {  	_ =	shalt  }
0x7b: {  	_ =	shalt  }
0x7c: {  	_ =	shalt  }
0x7d: {  	_ =	shalt  }
0x7e: {  	_ =	shalt  }
0x7f: {  	_ =	shalt  }
0x80: {  	_ =	shalt  }
0x81: {  	_ =	shalt  }
0x82: {  	_ =	shalt  }
0x83: {  	_ =	shalt  }
0x84: {  	_ =	shalt  }
0x85: {  	_ =	shalt  }
0x86: {  	_ =	shalt  }
0x87: {  	_ =	shalt  }
.Lfunc_end0:
.L_simem_size_0:
called_computation_lowered:
.L_overlay_start_0:
0x88: {  	s2 =	sld [smem:$0x3FD9]  }
0x89: {  	s3 =	sld [smem:$0x3FFE];
	_ =	sdelay $0x1  }
0x8a: {  	s1 =	srdreg.scid  }
0x8b: {  	s0 =	sand.u32 $0x1, s1  }
0x8c: {  	s17 =	sshll.u32 s0, $0xA;
	s2 =	sadd.s32 s3, s2  }
0x8d: {  	s2 =	sadd.s32 s2, s17  }
0x8e: {  	[smem:$0x3FC6] =	sst s2  }
0x8f: {  	_ = 	snop  }
0x90: {  	s2 =	sld [smem:$0x3FC9]  }
0x91: {  	s18 =	sld [smem:$0x3FD0];
	(tm) =	ssettm $0x1  }
0x92: {  	s4 =	sld [smem:$0x3FFB];
	_ =	sdelay $0x3  }
0x93: {  	_ =	strace s4  }
0x94: {  	s4 =	sld [smem:$0x3FFC];
	_ =	sdelay $0x3  }
0x95: {  	_ =	strace s4  }
0x96: {  	s4 =	sld [smem:$0x3FFD];
	_ =	sdelay $0x3  }
0x97: {  	_ =	strace s4  }
0x98: {  	_ =	strace $0x8FFFFFFF  }
0x99: {  	s19 =	sld [smem:$0x3FDB];
	_ =	sdelay $0x1  }
0x9a: {  	s5 =	simm.s32 $_scs_section_size  }
0x9b: {  	s6 =	simm.s32 $_size__tile_overlayer_lowered;
	s7 =	simm.s32 $_tile_overlayer_lowered  }
0x9c: {  	s22 =	simm.s32 $0x1BFF;
	s21 =	sshll.u32 s7, $0x1;
	s4 =	sadd.s32 s5, s19  }
0x9d: {  	s8 =	simm.s32 $0x0;
	s20 =	sshll.u32 s6, $0x1;
	s6 =	sadd.s32 s21, s4  }
0x9e: {  	[timem:s8], [sflag:s22] =	dma.local [hbm:s6], s20  }
0x9f: {  	_ =	swait.ge [sflag:s22], s20  }
0xa0: {  	s5 =	ssub.s32 $0x0, s20;
	[sflag:s22] =	ssyncset.done $0x0  }
0xa1: {  	[sflag:s22] =	ssyncadd.s32 s5;
	_ =	sdelay $0x1  }
0xa2: {  	s23 =	simm.s32 $0x1B8B  }
0xa3: {  	_ =	swait.ge [sflag:s23], $0x1  }
0xa4: {  	[sflag:s23] =	ssyncset.done $0x0  }
0xa5: {  	s25 =	simm.s32 $0x1B8E;
	s24 =	sld [smem:$0x3FFE];
	[sflag:s23] =	ssyncadd.s32 $0xFFFFFFFF  }
0xa6: {  	s26 =	simm.s32 $execute0_lowered;
	[smem:$0x3FD2] =	sst s25  }
0xa7: {  	s6 =	sshll.u32 s26, $0x1;
	_ =	strace $0x80000046;
	[dreg:$0x1] =	wrdreg $0xFFFFFFFF  }
0xa8: {  	s28 =	simm.s32 $_size_execute0_lowered;
	s4 =	sadd.s32 s4, s6;
	[dreg:$0x0] =	wrdreg $0x0  }
0xa9: {  	s6 =	sshll.u32 s28, $0x1;
	[dreg:$0x2] =	wrdreg s4  }
0xaa: {  	[dreg:$0x3] =	wrdreg s6  }
0xab: {  	[dreg:$0x4] =	wrdreg $0xC0  }
0xac: {  	_ =	task [dreg:s8], $0x5FFFF  }
0xad: {  	[dreg:$0x1] =	wrdreg $0xFFFFFFFF  }
0xae: {  	[dreg:$0x0] =	wrdreg $0x60  }
0xaf: {  	[dreg:$0x2] =	wrdreg s2  }
0xb0: {  	[dreg:$0x3] =	wrdreg s24  }
0xb1: {  	[dreg:$0x4] =	wrdreg s18  }
0xb2: {  	[dreg:$0x5] =	wrdreg $0x9  }
0xb3: {  	_ =	task.clear_ibuf [dreg:s8], $0x6FFFF;
	_ =	strace $0x90000046  }
0xb4: {  	s29 =	simm.s32 $0x9;
	_ =	strace $0x80000048  }
0xb5: {  	_ =	swait.ge [sflag:s29], $0x1  }
0xb6: {  	[sflag:s29] =	ssyncadd.s32 $0xFFFFFFFF  }
0xb7: {  	_ =	strace $0x90000048  }
0xb8: {  	_ =	sfence  }
0xb9: {  	s30 =	sld [smem:$0x0];
	_ =	sdelay $0x2  }
0xba: {  	s31 =	sshll.u32 s1, $0xD;
	s1 =	sshrl.u32 s1, $0x2  }
0xbb: {  	s3 =	sand.u32 $0x4000, s31;
	s1 =	sadd.s32 s1, s30  }
0xbc: {  	s0 =	sor.u32 s3, s0;
	s1 =	sshll.u32 s1, $0x11  }
0xbd: {  	s0 =	sor.u32 s1, s0  }
0xbe: {  	s0 =	sadd.s32 $0x8F2B, s0  }
0xbf: {  	[sflag:s0] =	ssyncadd.remote.s32 $0x1  }
0xc0: {  	_ =	sfence.sel $0xFFFF  }
0xc1: {  	[dreg:$0x0] =	wrdreg $0xFFFFFFFF;
	(pc) =	sbr.abs _section_cstart, $3  }
0xc2: {  	[dreg:$0x1] =	wrdreg $0xFFFFFFFF  }
0xc3: {  	_ =	task.clear_ibuf [dreg:s8], $0x2FFFF;
	_ =	strace $0x9FFFFFFF  }
0xc4: {  	(tm) =	ssettm $0x7FFFFFFF  }
0xc5: {  	_ =	shalt  }
tec
execute0_lowered:
.L_overlay_start_1:
0x0: {  	(tag) =	ssettag $0x1  }
0x1: {  	v0 =	vimm.s32 $0x76543210;
	v1 =	vlaneseq.u32;
	v3 =	vimm.s32 $0xFEDCBA98  }
0x2: {  	v4 =	vimm.s32 $0xFEDCBA9;
	v5 =	vimm.s32 $0x87654321;
	v6 =	vimm.s32 $0x10FEDCBA  }
0x3: {  	v7 =	vimm.s32 $0x98765432;
	v8 =	vimm.s32 $0x210FEDCB;
	v9 =	vimm.s32 $0xA9876543  }
0x4: {  	vm13 =	vcmask $0x300;
	vm14 =	vcmask $0x704;
	vm12 =	vcmask $0xB08  }
0x5: {  	vm11 =	vcmask $0xF0C;
	vm10 =	vcmask $0x1310;
	vm9 =	vcmask $0x1714  }
0x6: {  	vm8 =	vcmask $0x1B18;
	vm7 =	vcmask $0x1F1C;
	vm6 =	vcmask $0x2320  }
0x7: {  	vm5 =	vcmask $0x2724;
	vm4 =	vcmask $0x2B28;
	vm3 =	vcmask $0x2F2C  }
0x8: {  	vm2 =	vcmask $0x3330;
	vm1 =	vcmask $0x3734;
	vm0 =	vcmask $0x3B38  }
0x9: {  	v11 =	vimm.s32 $0x0;
	v12 =	vimm.s32 $0x1000;
	v13 =	vimm.s32 $0x80  }
0xa: {  	v14 =	vimm.s32 $0x1080;
	v15 =	vimm.s32 $0x100;
	v16 =	vimm.s32 $0x1100  }
0xb: {  	v17 =	vimm.s32 $0x3210FEDC;
	v18 =	vimm.s32 $0xBA987654;
	v19 =	vimm.s32 $0x43210FED  }
0xc: {  	v20 =	vimm.s32 $0xCBA98765;
	v28 =	vimm.s32 $0x1200;
	v29 =	vimm.s32 $0x280  }
0xd: {  	v30 =	vimm.s32 $0x1280;
	v31 =	vimm.s32 $0x300;
	v32 =	vimm.s32 $0x1300  }
0xe: {  	v2 =	vunpack.c.l.s4.s8 v0;
	v0 =	vimm.f32 $0.0e+00;
	v3 =	vunpack.c.l.s4.s8 v3  }
0xf: {  	v4 =	vunpack.c.l.s4.s8 v4;
	v5 =	vunpack.c.l.s4.s8 v5;
	v6 =	vunpack.c.l.s4.s8 v6  }
0x10: {  	v7 =	vunpack.c.l.s4.s8 v7;
	v8 =	vunpack.c.l.s4.s8 v8;
	v9 =	vunpack.c.l.s4.s8 v9  }
0x11: {  	v11 =	vsel vm13, $0x80, v11;
	v12 =	vsel vm13, $0x1080, v12;
	v13 =	vsel vm13, $0x100, v13  }
0x12: {  	v14 =	vsel vm13, $0x1100, v14;
	v15 =	vsel vm13, $0x180, v15;
	v16 =	vsel vm13, $0x1180, v16  }
0x13: {  	v17 =	vunpack.c.l.s4.s8 v17;
	v18 =	vunpack.c.l.s4.s8 v18;
	v19 =	vunpack.c.l.s4.s8 v19  }
0x14: {  	v20 =	vunpack.c.l.s4.s8 v20;
	v28 =	vsel vm13, $0x1280, v28;
	v29 =	vsel vm13, $0x300, v29  }
0x15: {  	v30 =	vsel vm13, $0x1300, v30;
	v31 =	vsel vm13, $0x380, v31;
	v32 =	vsel vm13, $0x1380, v32  }
0x16: {  	v11 =	vsel vm14, $0x100, v11;
	v12 =	vsel vm14, $0x1100, v12;
	v13 =	vsel vm14, $0x180, v13  }
0x17: {  	v14 =	vsel vm14, $0x1180, v14;
	v15 =	vsel vm14, $0x200, v15;
	v16 =	vsel vm14, $0x1200, v16  }
0x18: {  	v28 =	vsel vm14, $0x1300, v28;
	v29 =	vsel vm14, $0x380, v29;
	v30 =	vsel vm14, $0x1380, v30  }
0x19: {  	v31 =	vsel vm14, $0x1000, v31;
	v32 =	vsel vm14, $0x0, v32;
	v2 =	vunpack.c.0.s8.s32 v2  }
0x1a: {  	v3 =	vunpack.c.0.s8.s32 v3;
	v4 =	vunpack.c.0.s8.s32 v4;
	v5 =	vunpack.c.0.s8.s32 v5  }
0x1b: {  	v6 =	vunpack.c.0.s8.s32 v6;
	v7 =	vunpack.c.0.s8.s32 v7;
	v8 =	vunpack.c.0.s8.s32 v8  }
0x1c: {  	v9 =	vunpack.c.0.s8.s32 v9;
	v11 =	vsel vm12, $0x180, v11;
	v12 =	vsel vm12, $0x1180, v12  }
0x1d: {  	v13 =	vsel vm12, $0x200, v13;
	v14 =	vsel vm12, $0x1200, v14;
	v15 =	vsel vm12, $0x280, v15  }
0x1e: {  	v16 =	vsel vm12, $0x1280, v16;
	v17 =	vunpack.c.0.s8.s32 v17;
	v18 =	vunpack.c.0.s8.s32 v18  }
0x1f: {  	v22 =	vunpack.c.0.s8.s32 v19;
	v20 =	vunpack.c.0.s8.s32 v20;
	v19 =	vimm.s32 $0xDCBA9876  }
0x20: {  	v28 =	vsel vm12, $0x1380, v28;
	v29 =	vsel vm12, $0x1000, v29;
	v30 =	vsel vm12, $0x0, v30  }
0x21: {  	v31 =	vsel vm12, $0x1080, v31;
	v32 =	vsel vm12, $0x80, v32;
	v11 =	vsel vm11, $0x200, v11  }
0x22: {  	v12 =	vsel vm11, $0x1200, v12;
	v13 =	vsel vm11, $0x280, v13;
	v14 =	vsel vm11, $0x1280, v14  }
0x23: {  	v15 =	vsel vm11, $0x300, v15;
	v16 =	vsel vm11, $0x1300, v16;
	v25 =	vunpack.c.l.s4.s8 v19  }
0x24: {  	v28 =	vsel vm11, $0x0, v28;
	v29 =	vsel vm11, $0x1080, v29;
	v30 =	vsel vm11, $0x80, v30  }
0x25: {  	v31 =	vsel vm11, $0x1100, v31;
	v10 =	vcombine.low v5, v4;
	v4 =	vcombine.low v4, v5  }
0x26: {  	v32 =	vsel vm11, $0x100, v32;
	v5 =	vcombine.low v7, v6;
	v6 =	vcombine.low v6, v7  }
0x27: {  	v3 =	vand.u32 $0xF, v3;
	v7 =	vcombine.low v9, v8;
	v8 =	vcombine.low v8, v9  }
0x28: {  	v11 =	vsel vm10, $0x280, v11;
	v12 =	vsel vm10, $0x1280, v12;
	v13 =	vsel vm10, $0x300, v13  }
0x29: {  	v14 =	vsel vm10, $0x1300, v14;
	v15 =	vsel vm10, $0x380, v15;
	v16 =	vsel vm10, $0x1380, v16  }
0x2a: {  	v21 =	vcombine.low v18, v17;
	v18 =	vcombine.low v17, v18;
	v17 =	vimm.s32 $0x543210FE  }
0x2b: {  	v23 =	vcombine.low v20, v22;
	v20 =	vcombine.low v22, v20;
	v22 =	vimm.s32 $0x1180  }
0x2c: {  	v28 =	vsel vm10, $0x80, v28;
	v29 =	vsel vm10, $0x1100, v29;
	v30 =	vsel vm10, $0x100, v30  }
0x2d: {  	v31 =	vsel vm10, $0x1180, v31;
	v32 =	vsel vm10, $0x180, v32;
	v2 =	vcombine.low v3, v2  }
0x2e: {  	v11 =	vsel vm9, $0x300, v11;
	v12 =	vsel vm9, $0x1300, v12;
	v13 =	vsel vm9, $0x380, v13  }
0x2f: {  	v14 =	vsel vm9, $0x1380, v14;
	v15 =	vsel vm9, $0x1000, v15;
	v16 =	vsel vm9, $0x0, v16  }
0x30: {  	v24 =	vunpack.c.l.s4.s8 v17;
	v22 =	vsel vm13, $0x1200, v22;
	v28 =	vsel vm9, $0x100, v28  }
0x31: {  	v29 =	vsel vm9, $0x1180, v29;
	v30 =	vsel vm9, $0x180, v30;
	v31 =	vsel vm9, $0x1200, v31  }
0x32: {  	v32 =	vsel vm9, $0x200, v32;
	v3 =	vand.u32 $0xF, v10;
	v4 =	vand.u32 $0xF, v4  }
0x33: {  	v5 =	vand.u32 $0xF, v5;
	v6 =	vand.u32 $0xF, v6;
	v10 =	vimm.s32 $0x1380  }
0x34: {  	v7 =	vand.u32 $0xF, v7;
	v8 =	vand.u32 $0xF, v8;
	v11 =	vsel vm8, $0x380, v11  }
0x35: {  	v12 =	vsel vm8, $0x1380, v12;
	v13 =	vsel vm8, $0x1000, v13;
	v14 =	vsel vm8, $0x0, v14  }
0x36: {  	v15 =	vsel vm8, $0x1080, v15;
	v16 =	vsel vm8, $0x80, v16;
	v17 =	vand.u32 $0xF, v21  }
0x37: {  	v18 =	vand.u32 $0xF, v18;
	v19 =	vand.u32 $0xF, v23;
	v21 =	vimm.s32 $0x180  }
0x38: {  	v20 =	vand.u32 $0xF, v20;
	v22 =	vsel vm14, $0x1280, v22;
	v28 =	vsel vm8, $0x180, v28  }
0x39: {  	v29 =	vsel vm8, $0x1200, v29;
	v30 =	vsel vm8, $0x200, v30;
	v31 =	vsel vm8, $0x1280, v31  }
0x3a: {  	v32 =	vsel vm8, $0x280, v32;
	v10 =	vsel vm13, $0x0, v10;
	v11 =	vsel vm7, $0x1000, v11  }
0x3b: {  	v12 =	vsel vm7, $0x0, v12;
	v13 =	vsel vm7, $0x1080, v13;
	v14 =	vsel vm7, $0x80, v14  }
0x3c: {  	v15 =	vsel vm7, $0x1100, v15;
	v16 =	vsel vm7, $0x100, v16;
	v23 =	vunpack.c.0.s8.s32 v24  }
0x3d: {  	v24 =	vunpack.c.0.s8.s32 v25;
	v21 =	vsel vm13, $0x200, v21;
	v22 =	vsel vm12, $0x1300, v22  }
0x3e: {  	v28 =	vsel vm7, $0x200, v28;
	v29 =	vsel vm7, $0x1280, v29;
	v30 =	vsel vm7, $0x280, v30  }
0x3f: {  	v31 =	vsel vm7, $0x1300, v31;
	v32 =	vsel vm7, $0x300, v32;
	v9 =	vsel vm14, $0x80, v10  }
0x40: {  	v10 =	vimm.s32 $0x380;
	v11 =	vsel vm6, $0x1080, v11;
	v12 =	vsel vm6, $0x80, v12  }
0x41: {  	v13 =	vsel vm6, $0x1100, v13;
	v14 =	vsel vm6, $0x100, v14;
	v15 =	vsel vm6, $0x1180, v15  }
0x42: {  	v16 =	vsel vm6, $0x180, v16;
	v26 =	vsel vm14, $0x280, v21;
	v22 =	vsel vm11, $0x1380, v22  }
0x43: {  	v28 =	vsel vm6, $0x280, v28;
	v29 =	vsel vm6, $0x1300, v29;
	v30 =	vsel vm6, $0x300, v30  }
0x44: {  	v31 =	vsel vm6, $0x1380, v31;
	v32 =	vsel vm6, $0x380, v32;
	v9 =	vsel vm12, $0x100, v9  }
0x45: {  	v10 =	vsel vm13, $0x1000, v10;
	v11 =	vsel vm5, $0x1100, v11;
	v12 =	vsel vm5, $0x100, v12  }
0x46: {  	v13 =	vsel vm5, $0x1180, v13;
	v14 =	vsel vm5, $0x180, v14;
	v15 =	vsel vm5, $0x1200, v15  }
0x47: {  	v16 =	vsel vm5, $0x200, v16;
	v25 =	vcombine.low v24, v23;
	v23 =	vcombine.low v23, v24  }
0x48: {  	v22 =	vsel vm10, $0x0, v22;
	v28 =	vsel vm5, $0x300, v28;
	v29 =	vsel vm5, $0x1380, v29  }
0x49: {  	v30 =	vsel vm5, $0x380, v30;
	v31 =	vsel vm5, $0x0, v31;
	v32 =	vsel vm5, $0x1000, v32  }
0x4a: {  	v9 =	vsel vm11, $0x180, v9;
	v10 =	vsel vm14, $0x1080, v10;
	v11 =	vsel vm4, $0x1180, v11  }
0x4b: {  	v12 =	vsel vm4, $0x180, v12;
	v13 =	vsel vm4, $0x1200, v13;
	v14 =	vsel vm4, $0x200, v14  }
0x4c: {  	v15 =	vsel vm4, $0x1280, v15;
	v16 =	vsel vm4, $0x280, v16;
	v22 =	vsel vm9, $0x80, v22  }
0x4d: {  	v28 =	vsel vm4, $0x380, v28;
	v29 =	vsel vm4, $0x0, v29;
	v30 =	vsel vm4, $0x1000, v30  }
0x4e: {  	v31 =	vsel vm4, $0x80, v31;
	v32 =	vsel vm4, $0x1080, v32;
	v9 =	vsel vm10, $0x200, v9  }
0x4f: {  	v10 =	vsel vm12, $0x1100, v10;
	v11 =	vsel vm3, $0x1200, v11;
	v12 =	vsel vm3, $0x200, v12  }
0x50: {  	v13 =	vsel vm3, $0x1280, v13;
	v14 =	vsel vm3, $0x280, v14;
	v15 =	vsel vm3, $0x1300, v15  }
0x51: {  	v16 =	vsel vm3, $0x300, v16;
	v21 =	vand.u32 $0xF, v25;
	v25 =	vsel vm12, $0x300, v26  }
0x52: {  	v26 =	vimm.s32 $0xEDCBA987;
	v22 =	vsel vm8, $0x100, v22;
	v28 =	vsel vm3, $0x1000, v28  }
0x53: {  	v29 =	vsel vm3, $0x80, v29;
	v30 =	vsel vm3, $0x1080, v30;
	v31 =	vsel vm3, $0x100, v31  }
0x54: {  	v32 =	vsel vm3, $0x1100, v32;
	v9 =	vsel vm9, $0x280, v9;
	v10 =	vsel vm11, $0x1180, v10  }
0x55: {  	v11 =	vsel vm2, $0x1280, v11;
	v12 =	vsel vm2, $0x280, v12;
	v13 =	vsel vm2, $0x1300, v13  }
0x56: {  	v14 =	vsel vm2, $0x300, v14;
	v15 =	vsel vm2, $0x1380, v15;
	v16 =	vsel vm2, $0x380, v16  }
0x57: {  	v24 =	vsel vm11, $0x380, v25;
	v25 =	vimm.s32 $0x6543210F;
	v26 =	vunpack.c.l.s4.s8 v26  }
0x58: {  	v22 =	vsel vm7, $0x180, v22;
	v28 =	vsel vm2, $0x1080, v28;
	v29 =	vsel vm2, $0x100, v29  }
0x59: {  	v30 =	vsel vm2, $0x1100, v30;
	v31 =	vsel vm2, $0x180, v31;
	v32 =	vsel vm2, $0x1180, v32  }
0x5a: {  	v9 =	vsel vm8, $0x300, v9;
	v10 =	vsel vm10, $0x1200, v10;
	v11 =	vsel vm1, $0x1300, v11  }
0x5b: {  	v12 =	vsel vm1, $0x300, v12;
	v13 =	vsel vm1, $0x1380, v13;
	v14 =	vsel vm1, $0x380, v14  }
0x5c: {  	v15 =	vsel vm1, $0x0, v15;
	v16 =	vsel vm1, $0x1000, v16;
	v24 =	vsel vm10, $0x1000, v24  }
0x5d: {  	v25 =	vunpack.c.l.s4.s8 v25;
	v22 =	vsel vm6, $0x200, v22;
	v24 =	vsel vm9, $0x1080, v24  }
0x5e: {  	v28 =	vsel vm1, $0x1100, v28;
	v29 =	vsel vm1, $0x180, v29;
	v24 =	vsel vm8, $0x1100, v24  }
0x5f: {  	v30 =	vsel vm1, $0x1180, v30;
	v31 =	vsel vm1, $0x200, v31;
	v24 =	vsel vm7, $0x1180, v24  }
0x60: {  	v26 =	vunpack.c.0.s8.s32 v26;
	v25 =	vunpack.c.0.s8.s32 v25;
	v24 =	vsel vm6, $0x1200, v24  }
0x61: {  	v27 =	vsel vm5, $0x280, v22;
	v22 =	vand.u32 $0xF, v23;
	v24 =	vsel vm5, $0x1280, v24  }
0x62: {  	v23 =	vsel vm4, $0x1300, v24;
	v24 =	vsel vm4, $0x300, v27;
	v27 =	vcombine.low v26, v25  }
0x63: {  	v25 =	vcombine.low v25, v26;
	v23 =	vsel vm3, $0x1380, v23;
	v24 =	vsel vm3, $0x380, v24  }
0x64: {  	v26 =	vsel vm2, $0x0, v23;
	v24 =	vsel vm2, $0x1000, v24;
	v23 =	vand.u32 $0xF, v27  }
0x65: {  	v26 =	vsel vm1, $0x80, v26;
	v27 =	vsel vm1, $0x1080, v24;
	v24 =	vand.u32 $0xF, v25  }
0x66: {  	v25 =	vsel vm0, $0x100, v26;
	v26 =	vsel vm0, $0x1100, v27;
	v27 =	vimm.s32 $0x200  }
0x67: {  	v32 =	vsel vm1, $0x1200, v32;
	v9 =	vsel vm7, $0x380, v9;
	v27 =	vsel vm13, $0x280, v27  }
0x68: {  	v10 =	vsel vm9, $0x1280, v10;
	v11 =	vsel vm0, $0x1380, v11;
	v27 =	vsel vm14, $0x300, v27  }
0x69: {  	s0 =	rddreg [dreg:$0x0];
	v12 =	vsel vm0, $0x380, v12;
	v13 =	vsel vm0, $0x0, v13;
	v27 =	vsel vm12, $0x380, v27  }
0x6a: {  	s1 =	rddreg [dreg:$0x1];
	v14 =	vsel vm0, $0x1000, v14;
	v15 =	vsel vm0, $0x80, v15;
	v27 =	vsel vm11, $0x1000, v27  }
0x6b: {  	s2 =	srdreg.scid;
	s4 =	stileid.u32;
	v16 =	vsel vm0, $0x1080, v16;
	v28 =	vsel vm0, $0x1180, v28;
	v27 =	vsel vm10, $0x1080, v27  }
0x6c: {  	s3 =	rddreg [dreg:$0x2];
	s11 =	simm.s32 $0x5;
	s12 =	simm.s32 $0x2000;
	v29 =	vsel vm0, $0x200, v29;
	v30 =	vsel vm0, $0x1200, v30;
	v27 =	vsel vm9, $0x1100, v27  }
0x6d: {  	s14 =	simm.s32 $0x4000;
	s15 =	simm.s32 $0x1;
	s16 =	simm.s32 $0x4280;
	v31 =	vsel vm0, $0x280, v31;
	v10 =	vsel vm8, $0x1300, v10;
	v27 =	vsel vm8, $0x1180, v27  }
0x6e: {  	s17 =	simm.s32 $0x4500;
	s18 =	simm.s32 $0x1000;
	s19 =	simm.s32 $0x640000;
	v32 =	vsel vm0, $0x1280, v32;
	v10 =	vsel vm7, $0x1380, v10;
	v27 =	vsel vm7, $0x1200, v27  }
0x6f: {  	s20 =	simm.s32 $0x2;
	s21 =	simm.s32 $0x6500;
	s22 =	simm.s32 $0x3;
	v9 =	vsel vm6, $0x1000, v9;
	v10 =	vsel vm6, $0x0, v10;
	v27 =	vsel vm6, $0x1280, v27  }
0x70: {  	s23 =	simm.s32 $0x4;
	s2 =	sand.u32 $0x1, s2;
	s5 =	sshll.u32 s4, $0x1;
	v9 =	vsel vm5, $0x1080, v9;
	v10 =	vsel vm5, $0x80, v10;
	v27 =	vsel vm5, $0x1300, v27  }
0x71: {  	s24 =	simm.s32 $0x0;
	s4 =	simm.s32 $0x0;
	s5 =	sor.u32 s2, s5;
	v9 =	vsel vm4, $0x1100, v9;
	v10 =	vsel vm4, $0x100, v10;
	v27 =	vsel vm4, $0x1380, v27  }
0x72: {  	s6 =	sadd.s32 $0x400, s1;
	s2 =	ssub.s32 $0x2, s2;
	s5 =	smul.u32 $0x6400, s5;
	v9 =	vsel vm3, $0x1180, v9;
	v10 =	vsel vm3, $0x180, v10;
	v27 =	vsel vm3, $0x0, v27  }
0x73: {  	s8 =	sadd.s32 $0x7FE, s1;
	[smem:$0x7FF] =	sst s4;
	s7 =	sshrl.u32 s2, $0x1;
	v9 =	vsel vm2, $0x1200, v9;
	v10 =	vsel vm2, $0x200, v10;
	v27 =	vsel vm2, $0x80, v27  }
0x74: {  	_ =	strace $0x80000047;
	s2 =	ssub.s32 s2, s7;
	s9 =	sshrl.u32 s5, $0x3;
	v9 =	vsel vm1, $0x1280, v9;
	v10 =	vsel vm1, $0x280, v10;
	v27 =	vsel vm1, $0x100, v27  }
0x75: {  	s7 =	sadd.s32 $0x402, s1;
	s10 =	smax.u32 s2, $0x1;
	s9 =	sadd.s32 s0, s9;
	v9 =	vsel vm0, $0x1300, v9;
	v10 =	vsel vm0, $0x300, v10;
	v27 =	vsel vm0, $0x180, v27  }
.LBB2_1:
0x76: {  	[tilespmem:s4], [sflag:$0x5] =	stream.linear.gather [hbm4b:s6+s4], $0x2000, $0x38;
	[tilespmem:$0x8500] =	vst v63  }
0x77: {  	_ =	swait.ge [sflag:s11], $0x2000  }
0x78: {  	[sflag:s11] =	ssyncset.done $0x0  }
0x79: {  	[sflag:s11] =	ssyncadd.s32 $0xFFFFE000  }
0x7a: {  	[tilespmem:s12], [sflag:$0x5] =	stream.linear.gather [hbm4b:s7+s4], $0x1FF0, $0x38;
	[tilespmem:$0x8500] =	vst v63  }
0x7b: {  	_ =	swait.ge [sflag:s11], $0x1FF0  }
0x7c: {  	[sflag:s11] =	ssyncset.done $0x0  }
0x7d: {  	s1 =	simm.s32 $0x3FF0;
	[sflag:s11] =	ssyncadd.s32 $0xFFFFE010  }
0x7e: {  	[tilespmem:s1], [sflag:$0x5] =	stream.linear.gather [hbm4b:s8+s4], $0x10, $0x38;
	[tilespmem:$0x8500] =	vst v63  }
0x7f: {  	_ =	swait.ge [sflag:s11], $0x10  }
0x80: {  	[sflag:s11] =	ssyncset.done $0x0  }
0x81: {  	s1 =	simm.s32 $0x0;
	[sflag:s11] =	ssyncadd.s32 $0xFFFFFFF0  }
0x82: {  	s2 =	simm.s32 $0x40;
	v33 =	vld [tilespmem:s1+$0x0]  }
.LBB2_2:
0x83: {  	p0 =	sne.s32 s2, $0x7FC0;
	v34 =	vld [tilespmem:s1+$0x2000];
	_ =	sdelay $0x2  }
.Ltmp0:
0x84: {  	(pc) =	sbr.rel @p0 .LBB2_2-.Ltmp0, $4  }
0x85: {  	_ = 	snop  }
0x86: {  	v34 =	vsub.f32 v34, v33  }
0x87: {  	s25 =	sshra.s32 s2, $0x2  }
0x88: {  	s2 =	sadd.s32 $0x40, s2;
	v33 =	vld [tilespmem:s25+$0x0];
	[tilespmem:s1+$0x2000] =	vst v34;
	s1 =	smov.u32 s25  }
0x89: {  	v34 =	vld [tilespmem:s1+$0x2000];
	_ =	sdelay $0x4  }
0x8a: {  	v33 =	vsub.f32 v34, v33;
	_ =	sdelay $0x1  }
0x8b: {  	[tilespmem:s1+$0x2000] =	vst v33  }
0x8c: {  	[tilespmem:$0x4200] =	vst v0  }
0x8d: {  	s25 =	simm.s32 $0x0;
	s26 =	simm.s32 $0x0;
	[tilespmem:$0x4480] =	vst v0  }
0x8e: {  	[tilespmem:s14], [sflag:$0x1] =	stream.linear.gather [hbm4b:s9+s25], $0x200, $0x38;
	[tilespmem:$0x8500] =	vst v63  }
.LBB2_4:
0x8f: {  	s1 =	sshll.u32 s26, $0xA  }
0x90: {  	s29 =	sadd.s32 s5, s1  }
0x91: {  	s1 =	sshrl.u32 s29, $0x7  }
0x92: {  	_ =	swait.ge [sflag:s15], $0x200;
	s28 =	sor.u32 $0x4, s1  }
0x93: {  	[sflag:s15] =	ssyncset.done $0x0;
	s1 =	sshll.u32 s28, $0x4  }
0x94: {  	p0 =	seq.s32 s26, $0x0;
	[sflag:s15] =	ssyncadd.s32 $0xFFFFFE00;
	s1 =	sadd.s32 s0, s1  }
0x95: {  	[tilespmem:s16], [sflag:$0x2] =	stream.linear.gather [hbm4b:s1+s4], $0x200, $0x38;
	[tilespmem:$0x8500] =	vst v63  }
0x96: {  	s1 =	simm.s32 @!p0 $0x3  }
0x97: {  	_ =	swait.ge @!p0 [sflag:s1], $0x2000  }
0x98: {  	[sflag:s1] =	ssyncset.done @!p0 $0x0  }
0x99: {  	[sflag:s1] =	ssyncadd.s32 @!p0 $0xFFFFE000  }
0x9a: {  	v33 =	vld [tilespmem:$0x4000];
	_ =	sdelay $0x4  }
0x9b: {  	v33 =	vmul.f32 $5.110000000e+02, v33;
	_ =	sdelay $0x1  }
0x9c: {  	v34 =	vtrunc.f32 v33  }
0x9d: {  	v34 =	vcvt.f32.s32 v34;
	_ =	sdelay $0x1  }
0x9e: {  	v37 =	vshll.u32 v34, $0x4  }
0x9f: {  	v35 =	vor.u32 v5, v37  }
0xa0: {  	v38 =	vor.u32 v7, v37  }
0xa1: {  	v36 =	vor.u32 v6, v37;
	_ =	sdelay $0x2  }
0xa2: {  	v39 =	vor.u32 v3, v37;
	v40 =	vld.idx.msk [tilespmem:v35+s4+$0x0], $0xffff  }
0xa3: {  	v41 =	vor.u32 v2, v37;
	v42 =	vld.idx.msk [tilespmem:v38+s12+$0x0], $0xffff  }
0xa4: {  	v43 =	vor.u32 v1, v37;
	v44 =	vld.idx.msk [tilespmem:v36+s4+$0x0], $0xffff  }
0xa5: {  	v45 =	vld.idx.msk [tilespmem:v36+s12+$0x0], $0xffff  }
0xa6: {  	v46 =	vld.idx.msk [tilespmem:v35+s12+$0x0], $0xffff  }
0xa7: {  	v49 =	vor.u32 v4, v37;
	v47 =	vld.idx.msk [tilespmem:v39+s12+$0x0], $0xffff  }
0xa8: {  	v48 =	vld.idx.msk [tilespmem:v41+s12+$0x0], $0xffff  }
0xa9: {  	v61 =	vmov s25;
	v50 =	vld.idx.msk [tilespmem:v43+s12+$0x0], $0xffff  }
0xaa: {  	v62 =	vor.u32 s25, v1;
	v34 =	vcvt.s32.f32 v34;
	v35 =	vshll.u32 v61, $0x3;
	v41 =	vld.idx.msk [tilespmem:v41+s4+$0x0], $0xffff  }
0xab: {  	v52 =	vor.u32 v8, v37;
	v36 =	vand.u32 $0x7F, v62;
	v43 =	vld.idx.msk [tilespmem:v43+s4+$0x0], $0xffff;
	v51 =	vand.u32 $0xC00, v35  }
0xac: {  	v35 =	vsub.f32 v33, v34;
	v33 =	vld.idx.msk [tilespmem:v49+s12+$0x0], $0xffff;
	v36 =	vor.u32 v51, v36  }
0xad: {  	v39 =	vld.idx.msk [tilespmem:v39+s4+$0x0], $0xffff;
	v34 =	vor.u32 v9, v36;
	v51 =	vor.u32 v10, v36;
	v53 =	vor.u32 v11, v36  }
0xae: {  	s13 =	simm.s32 $0x4010;
	v49 =	vld.idx.msk [tilespmem:v49+s4+$0x0], $0xffff;
	v55 =	vor.u32 v12, v36;
	v56 =	vor.u32 v13, v36;
	v50 =	vmul.f32 v50, v35  }
0xaf: {  	v54 =	vld [tilespmem:s13+$0x0];
	v57 =	vor.u32 v14, v36;
	v58 =	vor.u32 v15, v36;
	v48 =	vmul.f32 v48, v35  }
0xb0: {  	v60 =	vld.idx.msk [tilespmem:v52+s12+$0x0], $0xffff;
	v59 =	vor.u32 v16, v36;
	v47 =	vmul.f32 v47, v35;
	v43 =	vadd.f32 v50, v43  }
0xb1: {  	v38 =	vld.idx.msk [tilespmem:v38+s4+$0x0], $0xffff;
	v45 =	vmul.f32 v45, v35;
	v33 =	vmul.f32 v33, v35;
	v41 =	vadd.f32 v48, v41  }
0xb2: {  	v63 =	vld.idx.msk [tilespmem:v52+s4+$0x0], $0xffff;
	v46 =	vmul.f32 v46, v35;
	v39 =	vadd.f32 v47, v39;
	[tilespmem:v34+s17+$0x0] =	vst.idx.msk $0xffff, v43  }
0xb3: {  	v52 =	vmul.f32 v42, v35;
	v33 =	vadd.f32 v33, v49;
	[tilespmem:v51+s17+$0x0] =	vst.idx.msk $0xffff, v41  }
0xb4: {  	v42 =	vor.u32 v22, v37;
	v40 =	vadd.f32 v46, v40;
	[tilespmem:v53+s17+$0x0] =	vst.idx.msk $0xffff, v39  }
0xb5: {  	v48 =	vadd.f32 v45, v44;
	v53 =	vmul.f32 v60, v35;
	[tilespmem:v55+s17+$0x0] =	vst.idx.msk $0xffff, v33  }
0xb6: {  	v38 =	vadd.f32 v52, v38;
	v55 =	vor.u32 v17, v37;
	[tilespmem:v56+s17+$0x0] =	vst.idx.msk $0xffff, v40  }
0xb7: {  	v60 =	vor.u32 v21, v37;
	v33 =	vadd.f32 v53, v63;
	[tilespmem:v57+s17+$0x0] =	vst.idx.msk $0xffff, v48  }
0xb8: {  	[tilespmem:v58+s17+$0x0] =	vst.idx.msk $0xffff, v38  }
0xb9: {  	[tilespmem:v59+s17+$0x0] =	vst.idx.msk $0xffff, v33  }
0xba: {  	v61 =	vor.u32 v19, v37;
	v38 =	vld.idx.msk [tilespmem:v42+s4+$0x0], $0xffff  }
0xbb: {  	v45 =	vld.idx.msk [tilespmem:v55+s4+$0x0], $0xffff  }
0xbc: {  	v48 =	vld.idx.msk [tilespmem:v60+s4+$0x0], $0xffff  }
0xbd: {  	v49 =	vor.u32 v23, v37;
	v63 =	vld.idx.msk [tilespmem:v60+s12+$0x0], $0xffff  }
0xbe: {  	v56 =	vor.u32 v18, v37;
	v40 =	vld.idx.msk [tilespmem:v55+s12+$0x0], $0xffff  }
0xbf: {  	v51 =	vld.idx.msk [tilespmem:v61+s12+$0x0], $0xffff  }
0xc0: {  	v62 =	vmul.f32 $5.110000000e+02, v54;
	v57 =	vor.u32 v20, v37;
	v55 =	vld.idx.msk [tilespmem:v61+s4+$0x0], $0xffff  }
0xc1: {  	v41 =	vld.idx.msk [tilespmem:v42+s12+$0x0], $0xffff  }
0xc2: {  	v58 =	vtrunc.f32 v62;
	v42 =	vld.idx.msk [tilespmem:v49+s12+$0x0], $0xffff  }
0xc3: {  	v52 =	vor.u32 v24, v37;
	v33 =	vcvt.f32.s32 v58;
	v43 =	vld.idx.msk [tilespmem:v56+s12+$0x0], $0xffff  }
0xc4: {  	v54 =	vld.idx.msk [tilespmem:v56+s4+$0x0], $0xffff  }
0xc5: {  	v46 =	vor.u32 v25, v36;
	v47 =	vor.u32 v26, v36;
	v59 =	vcvt.s32.f32 v33;
	v50 =	vld.idx.msk [tilespmem:v57+s12+$0x0], $0xffff  }
0xc6: {  	v37 =	vor.u32 v30, v36;
	v44 =	vld.idx.msk [tilespmem:v49+s4+$0x0], $0xffff;
	v34 =	vshll.u32 v33, $0x4;
	v61 =	vmul.f32 v63, v35  }
0xc7: {  	v39 =	vld.idx.msk [tilespmem:v57+s4+$0x0], $0xffff;
	v33 =	vsub.f32 v62, v59;
	v62 =	vmul.f32 v40, v35;
	v63 =	vmul.f32 v51, v35  }
0xc8: {  	v49 =	vor.u32 v28, v36;
	v60 =	vmul.f32 v43, v35;
	v43 =	vld.idx.msk [tilespmem:v52+s12+$0x0], $0xffff;
	v40 =	vadd.f32 v61, v48  }
0xc9: {  	s30 =	simm.s32 $0x10;
	v48 =	vor.u32 v27, v36;
	v53 =	vadd.f32 v62, v45;
	v45 =	vld.idx.msk [tilespmem:v52+s4+$0x0], $0xffff;
	v52 =	vadd.f32 v63, v55  }
0xca: {  	s31 =	simm.s32 $0x20;
	s2 =	simm.s32 $0x4020;
	s1 =	simm.s32 $0x4020;
	v51 =	vadd.f32 v60, v54;
	v54 =	vmul.f32 v50, v35;
	v50 =	vor.u32 v29, v36  }
.LBB2_5:
0xcb: {  	p0 =	sne.s32 s31, $0x1F0  }
0xcc: {  	s2 =	sadd.s32 $0x10, s2;
	[tilespmem:v46+s17+$0x0] =	vst.idx.msk $0xffff, v53;
	v46 =	vor.u32 v31, v36;
	s13 =	smov.u32 s31;
	s31 =	sadd.s32 $0x10, s31  }
0xcd: {  	v41 =	vmul.f32 v41, v35;
	[tilespmem:v47+s17+$0x0] =	vst.idx.msk $0xffff, v51;
	v39 =	vadd.f32 v54, v39  }
0xce: {  	v36 =	vor.u32 v32, v36;
	v42 =	vmul.f32 v42, v35;
	[tilespmem:v48+s17+$0x0] =	vst.idx.msk $0xffff, v52  }
0xcf: {  	v38 =	vadd.f32 v41, v38;
	[tilespmem:v49+s17+$0x0] =	vst.idx.msk $0xffff, v39;
	v39 =	vmul.f32 v43, v35;
	v35 =	vmov v33  }
0xd0: {  	v41 =	vor.u32 v5, v34;
	[tilespmem:v50+s17+$0x0] =	vst.idx.msk $0xffff, v40;
	v40 =	vadd.f32 v42, v44  }
0xd1: {  	v42 =	vor.u32 v7, v34;
	[tilespmem:v37+s17+$0x0] =	vst.idx.msk $0xffff, v38;
	v37 =	vadd.f32 v39, v45  }
0xd2: {  	v38 =	vor.u32 v6, v34;
	[tilespmem:v46+s17+$0x0] =	vst.idx.msk $0xffff, v40  }
0xd3: {  	v39 =	vmov s30;
	[tilespmem:v36+s17+$0x0] =	vst.idx.msk $0xffff, v37  }
0xd4: {  	v36 =	vshll.u32 v39, $0x3  }
0xd5: {  	v39 =	vor.u32 v3, v34;
	v36 =	vand.u32 $0xC00, v36;
	v40 =	vld.idx.msk [tilespmem:v41+s4+$0x0], $0xffff  }
0xd6: {  	v43 =	vor.u32 v2, v34;
	v37 =	vor.u32 s30, v1;
	s30 =	smov.u32 s13;
	v44 =	vld.idx.msk [tilespmem:v42+s12+$0x0], $0xffff  }
0xd7: {  	v45 =	vor.u32 v1, v34;
	v37 =	vand.u32 $0x7F, v37;
	v46 =	vld.idx.msk [tilespmem:v38+s4+$0x0], $0xffff  }
0xd8: {  	v36 =	vor.u32 v36, v37;
	v38 =	vld.idx.msk [tilespmem:v38+s12+$0x0], $0xffff  }
0xd9: {  	v37 =	vor.u32 v30, v36;
	v41 =	vld.idx.msk [tilespmem:v41+s12+$0x0], $0xffff  }
0xda: {  	v47 =	vld.idx.msk [tilespmem:v39+s12+$0x0], $0xffff  }
0xdb: {  	v49 =	vor.u32 v4, v34;
	v50 =	vor.u32 v9, v36;
	v48 =	vld.idx.msk [tilespmem:v43+s12+$0x0], $0xffff  }
0xdc: {  	v52 =	vor.u32 v10, v36;
	v51 =	vld.idx.msk [tilespmem:v45+s12+$0x0], $0xffff  }
0xdd: {  	v53 =	vor.u32 v11, v36;
	v39 =	vld.idx.msk [tilespmem:v39+s4+$0x0], $0xffff  }
0xde: {  	v54 =	vor.u32 v12, v36;
	v43 =	vld.idx.msk [tilespmem:v43+s4+$0x0], $0xffff  }
0xdf: {  	v55 =	vor.u32 v8, v34;
	v56 =	vor.u32 v13, v36;
	v45 =	vld.idx.msk [tilespmem:v45+s4+$0x0], $0xffff  }
0xe0: {  	v58 =	vor.u32 v14, v36;
	v57 =	vld.idx.msk [tilespmem:v49+s12+$0x0], $0xffff  }
0xe1: {  	v60 =	vor.u32 v15, v36;
	v59 =	vld [tilespmem:s1+$0x0];
	s1 =	smov.u32 s2  }
0xe2: {  	v61 =	vor.u32 v16, v36;
	v49 =	vld.idx.msk [tilespmem:v49+s4+$0x0], $0xffff  }
0xe3: {  	v48 =	vmul.f32 v48, v33;
	v51 =	vmul.f32 v51, v33;
	v42 =	vld.idx.msk [tilespmem:v42+s4+$0x0], $0xffff  }
0xe4: {  	v47 =	vmul.f32 v47, v33;
	v62 =	vld.idx.msk [tilespmem:v55+s12+$0x0], $0xffff  }
0xe5: {  	v38 =	vmul.f32 v38, v33;
	v41 =	vmul.f32 v41, v33;
	v45 =	vadd.f32 v51, v45  }
0xe6: {  	v39 =	vadd.f32 v47, v39;
	v43 =	vadd.f32 v48, v43;
	v47 =	vmul.f32 v57, v33;
	v51 =	vld.idx.msk [tilespmem:v55+s4+$0x0], $0xffff  }
0xe7: {  	v44 =	vmul.f32 v44, v33;
	v38 =	vadd.f32 v38, v46;
	v48 =	vmul.f32 $5.110000000e+02, v59;
	[tilespmem:v50+s17+$0x0] =	vst.idx.msk $0xffff, v45  }
0xe8: {  	v40 =	vadd.f32 v41, v40;
	[tilespmem:v52+s17+$0x0] =	vst.idx.msk $0xffff, v43;
	v43 =	vadd.f32 v47, v49  }
0xe9: {  	v41 =	vtrunc.f32 v48;
	[tilespmem:v53+s17+$0x0] =	vst.idx.msk $0xffff, v39;
	v39 =	vadd.f32 v44, v42  }
0xea: {  	v41 =	vcvt.f32.s32 v41;
	v33 =	vmul.f32 v62, v33;
	v42 =	vor.u32 v22, v34;
	[tilespmem:v54+s17+$0x0] =	vst.idx.msk $0xffff, v43  }
0xeb: {  	v43 =	vor.u32 v18, v34;
	[tilespmem:v56+s17+$0x0] =	vst.idx.msk $0xffff, v40;
	v40 =	vor.u32 v17, v34  }
0xec: {  	v44 =	vshll.u32 v41, $0x4;
	v41 =	vcvt.s32.f32 v41;
	[tilespmem:v58+s17+$0x0] =	vst.idx.msk $0xffff, v38;
	v38 =	vadd.f32 v33, v51  }
0xed: {  	v45 =	vor.u32 v20, v34;
	[tilespmem:v60+s17+$0x0] =	vst.idx.msk $0xffff, v39  }
0xee: {  	v33 =	vsub.f32 v48, v41;
	v41 =	vor.u32 v21, v34;
	[tilespmem:v61+s17+$0x0] =	vst.idx.msk $0xffff, v38  }
0xef: {  	v38 =	vld.idx.msk [tilespmem:v42+s4+$0x0], $0xffff  }
0xf0: {  	v49 =	vld.idx.msk [tilespmem:v40+s4+$0x0], $0xffff  }
0xf1: {  	v46 =	vld.idx.msk [tilespmem:v43+s12+$0x0], $0xffff  }
0xf2: {  	v47 =	vor.u32 v19, v34;
	v39 =	vld.idx.msk [tilespmem:v45+s4+$0x0], $0xffff  }
0xf3: {  	v48 =	vld.idx.msk [tilespmem:v41+s4+$0x0], $0xffff  }
0xf4: {  	v41 =	vld.idx.msk [tilespmem:v41+s12+$0x0], $0xffff  }
0xf5: {  	v50 =	vld.idx.msk [tilespmem:v45+s12+$0x0], $0xffff  }
0xf6: {  	v40 =	vld.idx.msk [tilespmem:v40+s12+$0x0], $0xffff  }
0xf7: {  	v51 =	vor.u32 v23, v34;
	v52 =	vmul.f32 v46, v35;
	v45 =	vld.idx.msk [tilespmem:v47+s12+$0x0], $0xffff  }
0xf8: {  	v55 =	vor.u32 v24, v34;
	v34 =	vmov v44;
	v54 =	vld.idx.msk [tilespmem:v43+s4+$0x0], $0xffff  }
0xf9: {  	v56 =	vld.idx.msk [tilespmem:v47+s4+$0x0], $0xffff  }
0xfa: {  	v43 =	vmul.f32 v41, v35  }
.Ltmp1:
0xfb: {  	v46 =	vor.u32 v25, v36;
	v41 =	vld.idx.msk [tilespmem:v42+s12+$0x0], $0xffff;
	(pc) =	sbr.rel @p0 .LBB2_5-.Ltmp1, $4  }
0xfc: {  	v47 =	vor.u32 v26, v36;
	v53 =	vmul.f32 v40, v35;
	v40 =	vadd.f32 v43, v48;
	v42 =	vld.idx.msk [tilespmem:v51+s12+$0x0], $0xffff  }
0xfd: {  	v48 =	vor.u32 v27, v36;
	v57 =	vmul.f32 v45, v35;
	v43 =	vld.idx.msk [tilespmem:v55+s12+$0x0], $0xffff  }
0xfe: {  	v53 =	vadd.f32 v53, v49;
	v49 =	vor.u32 v28, v36;
	v44 =	vld.idx.msk [tilespmem:v51+s4+$0x0], $0xffff;
	v51 =	vadd.f32 v52, v54  }
0xff: {  	v52 =	vadd.f32 v57, v56;
	v54 =	vmul.f32 v50, v35;
	v50 =	vor.u32 v29, v36;
	v45 =	vld.idx.msk [tilespmem:v55+s4+$0x0], $0xffff  }
0x100: {  	_ =	sdelay $0x3  }
0x101: {  	[tilespmem:v46+s17+$0x0] =	vst.idx.msk $0xffff, v53;
	v63 =	vor.u32 v31, v36;
	v41 =	vmul.f32 v41, v35  }
0x102: {  	v53 =	vor.u32 v5, v34;
	[tilespmem:v47+s17+$0x0] =	vst.idx.msk $0xffff, v51;
	v39 =	vadd.f32 v54, v39  }
0x103: {  	v42 =	vmul.f32 v42, v35;
	v51 =	vor.u32 v32, v36;
	[tilespmem:v48+s17+$0x0] =	vst.idx.msk $0xffff, v52  }
0x104: {  	v38 =	vadd.f32 v41, v38;
	v52 =	vmul.f32 v43, v35;
	[tilespmem:v49+s17+$0x0] =	vst.idx.msk $0xffff, v39  }
0x105: {  	v41 =	vor.u32 v7, v34;
	v54 =	vadd.f32 v42, v44;
	[tilespmem:v50+s17+$0x0] =	vst.idx.msk $0xffff, v40  }
0x106: {  	v55 =	vor.u32 v6, v34;
	v35 =	vadd.f32 v52, v45;
	[tilespmem:v37+s17+$0x0] =	vst.idx.msk $0xffff, v38  }
0x107: {  	[tilespmem:v63+s17+$0x0] =	vst.idx.msk $0xffff, v54  }
0x108: {  	v56 =	vor.u32 v3, v34;
	[tilespmem:v51+s17+$0x0] =	vst.idx.msk $0xffff, v35  }
0x109: {  	v57 =	vor.u32 v2, v34;
	v36 =	vld.idx.msk [tilespmem:v53+s4+$0x0], $0xffff  }
0x10a: {  	v58 =	vor.u32 v1, v34;
	v40 =	vld.idx.msk [tilespmem:v41+s12+$0x0], $0xffff  }
0x10b: {  	v37 =	vld.idx.msk [tilespmem:v55+s12+$0x0], $0xffff  }
0x10c: {  	v39 =	vld.idx.msk [tilespmem:v53+s12+$0x0], $0xffff  }
0x10d: {  	v59 =	vor.u32 v4, v34;
	v44 =	vld.idx.msk [tilespmem:v56+s12+$0x0], $0xffff  }
0x10e: {  	v46 =	vld.idx.msk [tilespmem:v57+s12+$0x0], $0xffff  }
0x10f: {  	v61 =	vmov s30;
	v48 =	vld.idx.msk [tilespmem:v58+s12+$0x0], $0xffff  }
0x110: {  	v62 =	vor.u32 s30, v1;
	v47 =	vshll.u32 v61, $0x3;
	v38 =	vld.idx.msk [tilespmem:v57+s4+$0x0], $0xffff  }
0x111: {  	v47 =	vand.u32 $0xC00, v47;
	v49 =	vand.u32 $0x7F, v62;
	v63 =	vor.u32 v8, v34;
	v42 =	vld.idx.msk [tilespmem:v58+s4+$0x0], $0xffff  }
0x112: {  	v47 =	vor.u32 v47, v49;
	v49 =	vld.idx.msk [tilespmem:v59+s12+$0x0], $0xffff  }
0x113: {  	v60 =	vor.u32 v10, v47;
	v61 =	vor.u32 v11, v47;
	v51 =	vor.u32 v9, v47;
	v35 =	vld.idx.msk [tilespmem:v56+s4+$0x0], $0xffff  }
0x114: {  	v62 =	vor.u32 v12, v47;
	v54 =	vor.u32 v17, v34;
	v45 =	vld.idx.msk [tilespmem:v59+s4+$0x0], $0xffff;
	v48 =	vmul.f32 v48, v33  }
0x115: {  	v43 =	vld.idx.msk [tilespmem:v55+s4+$0x0], $0xffff;
	v55 =	vor.u32 v13, v47;
	v56 =	vor.u32 v14, v47;
	v46 =	vmul.f32 v46, v33  }
0x116: {  	v57 =	vor.u32 v15, v47;
	v59 =	vld.idx.msk [tilespmem:v63+s12+$0x0], $0xffff;
	v44 =	vmul.f32 v44, v33;
	v42 =	vadd.f32 v48, v42  }
0x117: {  	v41 =	vld.idx.msk [tilespmem:v41+s4+$0x0], $0xffff;
	v58 =	vor.u32 v16, v47;
	v49 =	vmul.f32 v49, v33;
	v38 =	vadd.f32 v46, v38  }
0x118: {  	v63 =	vld.idx.msk [tilespmem:v63+s4+$0x0], $0xffff;
	v39 =	vmul.f32 v39, v33;
	v35 =	vadd.f32 v44, v35;
	[tilespmem:v51+s17+$0x0] =	vst.idx.msk $0xffff, v42  }
0x119: {  	v37 =	vmul.f32 v37, v33;
	v50 =	vadd.f32 v49, v45;
	[tilespmem:v60+s17+$0x0] =	vst.idx.msk $0xffff, v38  }
0x11a: {  	v40 =	vmul.f32 v40, v33;
	v36 =	vadd.f32 v39, v36;
	[tilespmem:v61+s17+$0x0] =	vst.idx.msk $0xffff, v35  }
0x11b: {  	v37 =	vadd.f32 v37, v43;
	v51 =	vmul.f32 v59, v33;
	[tilespmem:v62+s17+$0x0] =	vst.idx.msk $0xffff, v50  }
0x11c: {  	v53 =	vadd.f32 v40, v41;
	[tilespmem:v55+s17+$0x0] =	vst.idx.msk $0xffff, v36  }
0x11d: {  	v52 =	vor.u32 v22, v34;
	v35 =	vadd.f32 v51, v63;
	[tilespmem:v56+s17+$0x0] =	vst.idx.msk $0xffff, v37  }
0x11e: {  	v60 =	vor.u32 v23, v34;
	[tilespmem:v57+s17+$0x0] =	vst.idx.msk $0xffff, v53  }
0x11f: {  	[tilespmem:v58+s17+$0x0] =	vst.idx.msk $0xffff, v35  }
0x120: {  	v55 =	vor.u32 v18, v34;
	v41 =	vld.idx.msk [tilespmem:v54+s4+$0x0], $0xffff  }
0x121: {  	v57 =	vor.u32 v21, v34;
	v36 =	vld.idx.msk [tilespmem:v54+s12+$0x0], $0xffff  }
0x122: {  	v38 =	vld.idx.msk [tilespmem:v52+s12+$0x0], $0xffff  }
0x123: {  	v51 =	vld.idx.msk [tilespmem:v60+s12+$0x0], $0xffff  }
0x124: {  	v58 =	vor.u32 v19, v34;
	v46 =	vld.idx.msk [tilespmem:v60+s4+$0x0], $0xffff  }
0x125: {  	v56 =	vor.u32 v20, v34;
	v42 =	vld.idx.msk [tilespmem:v55+s12+$0x0], $0xffff  }
0x126: {  	v35 =	vld.idx.msk [tilespmem:v57+s12+$0x0], $0xffff  }
0x127: {  	v40 =	vld.idx.msk [tilespmem:v55+s4+$0x0], $0xffff  }
0x128: {  	v59 =	vld.idx.msk [tilespmem:v57+s4+$0x0], $0xffff  }
0x129: {  	v62 =	vor.u32 v24, v34;
	v61 =	vld.idx.msk [tilespmem:v58+s12+$0x0], $0xffff  }
0x12a: {  	v37 =	vld.idx.msk [tilespmem:v56+s12+$0x0], $0xffff  }
0x12b: {  	v63 =	vor.u32 v25, v47;
	v43 =	vld.idx.msk [tilespmem:v58+s4+$0x0], $0xffff;
	v35 =	vmul.f32 v35, v33  }
0x12c: {  	v60 =	vor.u32 v28, v47;
	v44 =	vld.idx.msk [tilespmem:v56+s4+$0x0], $0xffff;
	v57 =	vor.u32 v26, v47;
	v36 =	vmul.f32 v36, v33  }
0x12d: {  	v39 =	vld.idx.msk [tilespmem:v52+s4+$0x0], $0xffff;
	v42 =	vmul.f32 v42, v33;
	v35 =	vadd.f32 v35, v59;
	v59 =	vor.u32 v27, v47  }
0x12e: {  	v56 =	vor.u32 v30, v47;
	v58 =	vld.idx.msk [tilespmem:v62+s12+$0x0], $0xffff;
	v36 =	vadd.f32 v36, v41;
	v48 =	vmul.f32 v61, v33  }
0x12f: {  	v37 =	vmul.f32 v37, v33;
	v40 =	vadd.f32 v42, v40;
	v61 =	vor.u32 v29, v47  }
0x130: {  	v34 =	vld.idx.msk [tilespmem:v62+s4+$0x0], $0xffff;
	v62 =	vor.u32 v31, v47;
	[tilespmem:v63+s17+$0x0] =	vst.idx.msk $0xffff, v36;
	v43 =	vadd.f32 v48, v43  }
0x131: {  	v38 =	vmul.f32 v38, v33;
	v37 =	vadd.f32 v37, v44;
	[tilespmem:v57+s17+$0x0] =	vst.idx.msk $0xffff, v40  }
0x132: {  	v63 =	vmul.f32 v51, v33;
	v48 =	vor.u32 v32, v47;
	[tilespmem:v59+s17+$0x0] =	vst.idx.msk $0xffff, v43  }
0x133: {  	v49 =	vadd.f32 v38, v39;
	v51 =	vmul.f32 v58, v33;
	[tilespmem:v60+s17+$0x0] =	vst.idx.msk $0xffff, v37  }
0x134: {  	v52 =	vadd.f32 v63, v46;
	[tilespmem:v61+s17+$0x0] =	vst.idx.msk $0xffff, v35  }
0x135: {  	v33 =	vadd.f32 v51, v34;
	[tilespmem:v56+s17+$0x0] =	vst.idx.msk $0xffff, v49  }
0x136: {  	[tilespmem:v62+s17+$0x0] =	vst.idx.msk $0xffff, v52  }
0x137: {  	s1 =	sadd.s32 s3, s29;
	p0 =	seq.s32 s26, $0x18;
	[tilespmem:v48+s17+$0x0] =	vst.idx.msk $0xffff, v33  }
0x138: {  	[hbm4b:s1+s18] =	stream.strided.scatter [tilespmem:s17], [sflag:$0x3], $0x2000, s19, s18, $0x38;
	[tilespmem:$0x8500] =	vst v63  }
0x139: {  	p1 =	seq.s32 @!p0 s26, $0x0;
	s1 =	sshrl.u32 @!p0 s29, $0x3;
	_ =	swait.ge [sflag:s20], $0x200  }
0x13a: {  	s2 =	simm.s32 @!p0 $0x0;
	s1 =	sadd.s32 @!p0 s0, s1;
	[sflag:s20] =	ssyncset.done $0x0  }
0x13b: {  	s13 =	simm.s32 @!p0 $0x4000;
	s1 =	sadd.s32 @!p0 $0x80, s1;
	[sflag:s20] =	ssyncadd.s32 $0xFFFFFE00  }
0x13c: {  	[tilespmem:s13], [sflag:$0x1] =	stream.linear.gather @!p0 [hbm4b:s1+s2], $0x200, $0x38;
	[tilespmem:$0x8500] =	vst v63  }
0x13d: {  	p0 =	por p0, !p1  }
0x13e: {  	_ =	swait.ge @p0 [sflag:s23], $0x2000  }
0x13f: {  	[sflag:s23] =	ssyncset.done @p0 $0x0  }
0x140: {  	[sflag:s23] =	ssyncadd.s32 @p0 $0xFFFFE000  }
0x141: {  	v53 =	vld [tilespmem:$0x4280];
	_ =	sdelay $0x4  }
0x142: {  	v33 =	vmul.f32 $5.110000000e+02, v53;
	_ =	sdelay $0x1  }
0x143: {  	v54 =	vtrunc.f32 v33  }
0x144: {  	v34 =	vcvt.f32.s32 v54;
	_ =	sdelay $0x1  }
0x145: {  	v37 =	vshll.u32 v34, $0x4  }
0x146: {  	v55 =	vor.u32 v5, v37  }
0x147: {  	v38 =	vor.u32 v7, v37  }
0x148: {  	v56 =	vor.u32 v6, v37;
	_ =	sdelay $0x2  }
0x149: {  	v57 =	vor.u32 v3, v37;
	v40 =	vld.idx.msk [tilespmem:v55+s4+$0x0], $0xffff  }
0x14a: {  	v58 =	vor.u32 v2, v37;
	v42 =	vld.idx.msk [tilespmem:v38+s12+$0x0], $0xffff  }
0x14b: {  	v59 =	vor.u32 v1, v37;
	v44 =	vld.idx.msk [tilespmem:v56+s4+$0x0], $0xffff  }
0x14c: {  	v45 =	vld.idx.msk [tilespmem:v56+s12+$0x0], $0xffff  }
0x14d: {  	v46 =	vld.idx.msk [tilespmem:v55+s12+$0x0], $0xffff  }
0x14e: {  	v49 =	vor.u32 v4, v37;
	v47 =	vld.idx.msk [tilespmem:v57+s12+$0x0], $0xffff  }
0x14f: {  	s13 =	simm.s32 $0x0;
	v48 =	vld.idx.msk [tilespmem:v58+s12+$0x0], $0xffff  }
0x150: {  	v60 =	vmov s13;
	v63 =	vld.idx.msk [tilespmem:v59+s12+$0x0], $0xffff  }
0x151: {  	v61 =	vor.u32 s13, v1;
	v35 =	vshll.u32 v60, $0x3;
	v34 =	vcvt.s32.f32 v34;
	v41 =	vld.idx.msk [tilespmem:v58+s4+$0x0], $0xffff  }
0x152: {  	v36 =	vand.u32 $0x7F, v61;
	v62 =	vand.u32 $0xC00, v35;
	v52 =	vor.u32 v8, v37;
	v43 =	vld.idx.msk [tilespmem:v59+s4+$0x0], $0xffff  }
0x153: {  	v36 =	vor.u32 v62, v36;
	v35 =	vsub.f32 v33, v34;
	v33 =	vld.idx.msk [tilespmem:v49+s12+$0x0], $0xffff  }
0x154: {  	v51 =	vor.u32 v10, v36;
	v53 =	vor.u32 v11, v36;
	v34 =	vor.u32 v9, v36;
	v39 =	vld.idx.msk [tilespmem:v57+s4+$0x0], $0xffff  }
0x155: {  	s31 =	simm.s32 $0x4290;
	v55 =	vor.u32 v12, v36;
	v56 =	vor.u32 v13, v36;
	v49 =	vld.idx.msk [tilespmem:v49+s4+$0x0], $0xffff;
	v50 =	vmul.f32 v63, v35  }
0x156: {  	v54 =	vld [tilespmem:s31+$0x0];
	v57 =	vor.u32 v14, v36;
	v58 =	vor.u32 v15, v36;
	v48 =	vmul.f32 v48, v35  }
0x157: {  	v59 =	vor.u32 v16, v36;
	v60 =	vld.idx.msk [tilespmem:v52+s12+$0x0], $0xffff;
	v47 =	vmul.f32 v47, v35;
	v43 =	vadd.f32 v50, v43  }
0x158: {  	v38 =	vld.idx.msk [tilespmem:v38+s4+$0x0], $0xffff;
	v45 =	vmul.f32 v45, v35;
	v33 =	vmul.f32 v33, v35;
	v41 =	vadd.f32 v48, v41  }
0x159: {  	v63 =	vld.idx.msk [tilespmem:v52+s4+$0x0], $0xffff;
	v46 =	vmul.f32 v46, v35;
	v39 =	vadd.f32 v47, v39;
	[tilespmem:v34+s21+$0x0] =	vst.idx.msk $0xffff, v43  }
0x15a: {  	v52 =	vmul.f32 v42, v35;
	v33 =	vadd.f32 v33, v49;
	[tilespmem:v51+s21+$0x0] =	vst.idx.msk $0xffff, v41  }
0x15b: {  	v42 =	vor.u32 v22, v37;
	v40 =	vadd.f32 v46, v40;
	[tilespmem:v53+s21+$0x0] =	vst.idx.msk $0xffff, v39  }
0x15c: {  	v48 =	vadd.f32 v45, v44;
	v53 =	vmul.f32 v60, v35;
	[tilespmem:v55+s21+$0x0] =	vst.idx.msk $0xffff, v33  }
0x15d: {  	v38 =	vadd.f32 v52, v38;
	v55 =	vor.u32 v17, v37;
	[tilespmem:v56+s21+$0x0] =	vst.idx.msk $0xffff, v40  }
0x15e: {  	v60 =	vor.u32 v21, v37;
	v33 =	vadd.f32 v53, v63;
	[tilespmem:v57+s21+$0x0] =	vst.idx.msk $0xffff, v48  }
0x15f: {  	[tilespmem:v58+s21+$0x0] =	vst.idx.msk $0xffff, v38  }
0x160: {  	[tilespmem:v59+s21+$0x0] =	vst.idx.msk $0xffff, v33  }
0x161: {  	v61 =	vor.u32 v19, v37;
	v38 =	vld.idx.msk [tilespmem:v42+s4+$0x0], $0xffff  }
0x162: {  	v45 =	vld.idx.msk [tilespmem:v55+s4+$0x0], $0xffff  }
0x163: {  	v48 =	vld.idx.msk [tilespmem:v60+s4+$0x0], $0xffff  }
0x164: {  	v49 =	vor.u32 v23, v37;
	v63 =	vld.idx.msk [tilespmem:v60+s12+$0x0], $0xffff  }
0x165: {  	v56 =	vor.u32 v18, v37;
	v40 =	vld.idx.msk [tilespmem:v55+s12+$0x0], $0xffff  }
0x166: {  	v51 =	vld.idx.msk [tilespmem:v61+s12+$0x0], $0xffff  }
0x167: {  	v62 =	vmul.f32 $5.110000000e+02, v54;
	v57 =	vor.u32 v20, v37;
	v55 =	vld.idx.msk [tilespmem:v61+s4+$0x0], $0xffff  }
0x168: {  	v41 =	vld.idx.msk [tilespmem:v42+s12+$0x0], $0xffff  }
0x169: {  	v58 =	vtrunc.f32 v62;
	v42 =	vld.idx.msk [tilespmem:v49+s12+$0x0], $0xffff  }
0x16a: {  	v52 =	vor.u32 v24, v37;
	v33 =	vcvt.f32.s32 v58;
	v43 =	vld.idx.msk [tilespmem:v56+s12+$0x0], $0xffff  }
0x16b: {  	v54 =	vld.idx.msk [tilespmem:v56+s4+$0x0], $0xffff  }
0x16c: {  	v46 =	vor.u32 v25, v36;
	v47 =	vor.u32 v26, v36;
	v59 =	vcvt.s32.f32 v33;
	v50 =	vld.idx.msk [tilespmem:v57+s12+$0x0], $0xffff  }
0x16d: {  	v37 =	vor.u32 v30, v36;
	v44 =	vld.idx.msk [tilespmem:v49+s4+$0x0], $0xffff;
	v34 =	vshll.u32 v33, $0x4;
	v61 =	vmul.f32 v63, v35  }
0x16e: {  	v39 =	vld.idx.msk [tilespmem:v57+s4+$0x0], $0xffff;
	v33 =	vsub.f32 v62, v59;
	v62 =	vmul.f32 v40, v35;
	v63 =	vmul.f32 v51, v35  }
0x16f: {  	v49 =	vor.u32 v28, v36;
	v60 =	vmul.f32 v43, v35;
	v43 =	vld.idx.msk [tilespmem:v52+s12+$0x0], $0xffff;
	v40 =	vadd.f32 v61, v48  }
0x170: {  	s30 =	simm.s32 $0x20;
	v48 =	vor.u32 v27, v36;
	v53 =	vadd.f32 v62, v45;
	v45 =	vld.idx.msk [tilespmem:v52+s4+$0x0], $0xffff;
	v52 =	vadd.f32 v63, v55  }
0x171: {  	s29 =	simm.s32 $0x10;
	s2 =	simm.s32 $0x42A0;
	s1 =	simm.s32 $0x42A0;
	v51 =	vadd.f32 v60, v54;
	v54 =	vmul.f32 v50, v35;
	v50 =	vor.u32 v29, v36  }
.LBB2_7:
0x172: {  	p0 =	sne.s32 s30, $0x1F0  }
0x173: {  	s2 =	sadd.s32 $0x10, s2;
	[tilespmem:v46+s21+$0x0] =	vst.idx.msk $0xffff, v53;
	v46 =	vor.u32 v31, v36;
	s13 =	smov.u32 s30;
	s30 =	sadd.s32 $0x10, s30  }
0x174: {  	v41 =	vmul.f32 v41, v35;
	[tilespmem:v47+s21+$0x0] =	vst.idx.msk $0xffff, v51;
	v39 =	vadd.f32 v54, v39  }
0x175: {  	v36 =	vor.u32 v32, v36;
	v42 =	vmul.f32 v42, v35;
	[tilespmem:v48+s21+$0x0] =	vst.idx.msk $0xffff, v52  }
0x176: {  	v38 =	vadd.f32 v41, v38;
	[tilespmem:v49+s21+$0x0] =	vst.idx.msk $0xffff, v39;
	v39 =	vmul.f32 v43, v35;
	v35 =	vmov v33  }
0x177: {  	v41 =	vor.u32 v5, v34;
	[tilespmem:v50+s21+$0x0] =	vst.idx.msk $0xffff, v40;
	v40 =	vadd.f32 v42, v44  }
0x178: {  	v42 =	vor.u32 v7, v34;
	[tilespmem:v37+s21+$0x0] =	vst.idx.msk $0xffff, v38;
	v37 =	vadd.f32 v39, v45  }
0x179: {  	v38 =	vor.u32 v6, v34;
	[tilespmem:v46+s21+$0x0] =	vst.idx.msk $0xffff, v40  }
0x17a: {  	v39 =	vmov s29;
	[tilespmem:v36+s21+$0x0] =	vst.idx.msk $0xffff, v37  }
0x17b: {  	v36 =	vshll.u32 v39, $0x3  }
0x17c: {  	v39 =	vor.u32 v3, v34;
	v36 =	vand.u32 $0xC00, v36;
	v40 =	vld.idx.msk [tilespmem:v41+s4+$0x0], $0xffff  }
0x17d: {  	v43 =	vor.u32 v2, v34;
	v37 =	vor.u32 s29, v1;
	s29 =	smov.u32 s13;
	v44 =	vld.idx.msk [tilespmem:v42+s12+$0x0], $0xffff  }
0x17e: {  	v45 =	vor.u32 v1, v34;
	v37 =	vand.u32 $0x7F, v37;
	v46 =	vld.idx.msk [tilespmem:v38+s4+$0x0], $0xffff  }
0x17f: {  	v36 =	vor.u32 v36, v37;
	v38 =	vld.idx.msk [tilespmem:v38+s12+$0x0], $0xffff  }
0x180: {  	v37 =	vor.u32 v30, v36;
	v41 =	vld.idx.msk [tilespmem:v41+s12+$0x0], $0xffff  }
0x181: {  	v47 =	vld.idx.msk [tilespmem:v39+s12+$0x0], $0xffff  }
0x182: {  	v49 =	vor.u32 v4, v34;
	v50 =	vor.u32 v9, v36;
	v48 =	vld.idx.msk [tilespmem:v43+s12+$0x0], $0xffff  }
0x183: {  	v52 =	vor.u32 v10, v36;
	v51 =	vld.idx.msk [tilespmem:v45+s12+$0x0], $0xffff  }
0x184: {  	v53 =	vor.u32 v11, v36;
	v39 =	vld.idx.msk [tilespmem:v39+s4+$0x0], $0xffff  }
0x185: {  	v54 =	vor.u32 v12, v36;
	v43 =	vld.idx.msk [tilespmem:v43+s4+$0x0], $0xffff  }
0x186: {  	v55 =	vor.u32 v8, v34;
	v56 =	vor.u32 v13, v36;
	v45 =	vld.idx.msk [tilespmem:v45+s4+$0x0], $0xffff  }
0x187: {  	v58 =	vor.u32 v14, v36;
	v57 =	vld.idx.msk [tilespmem:v49+s12+$0x0], $0xffff  }
0x188: {  	v60 =	vor.u32 v15, v36;
	v59 =	vld [tilespmem:s1+$0x0];
	s1 =	smov.u32 s2  }
0x189: {  	v61 =	vor.u32 v16, v36;
	v49 =	vld.idx.msk [tilespmem:v49+s4+$0x0], $0xffff  }
0x18a: {  	v48 =	vmul.f32 v48, v33;
	v51 =	vmul.f32 v51, v33;
	v42 =	vld.idx.msk [tilespmem:v42+s4+$0x0], $0xffff  }
0x18b: {  	v47 =	vmul.f32 v47, v33;
	v62 =	vld.idx.msk [tilespmem:v55+s12+$0x0], $0xffff  }
0x18c: {  	v38 =	vmul.f32 v38, v33;
	v41 =	vmul.f32 v41, v33;
	v45 =	vadd.f32 v51, v45  }
0x18d: {  	v39 =	vadd.f32 v47, v39;
	v43 =	vadd.f32 v48, v43;
	v47 =	vmul.f32 v57, v33;
	v51 =	vld.idx.msk [tilespmem:v55+s4+$0x0], $0xffff  }
0x18e: {  	v44 =	vmul.f32 v44, v33;
	v38 =	vadd.f32 v38, v46;
	v48 =	vmul.f32 $5.110000000e+02, v59;
	[tilespmem:v50+s21+$0x0] =	vst.idx.msk $0xffff, v45  }
0x18f: {  	v40 =	vadd.f32 v41, v40;
	[tilespmem:v52+s21+$0x0] =	vst.idx.msk $0xffff, v43;
	v43 =	vadd.f32 v47, v49  }
0x190: {  	v41 =	vtrunc.f32 v48;
	[tilespmem:v53+s21+$0x0] =	vst.idx.msk $0xffff, v39;
	v39 =	vadd.f32 v44, v42  }
0x191: {  	v41 =	vcvt.f32.s32 v41;
	v33 =	vmul.f32 v62, v33;
	v42 =	vor.u32 v22, v34;
	[tilespmem:v54+s21+$0x0] =	vst.idx.msk $0xffff, v43  }
0x192: {  	v43 =	vor.u32 v18, v34;
	[tilespmem:v56+s21+$0x0] =	vst.idx.msk $0xffff, v40;
	v40 =	vor.u32 v17, v34  }
0x193: {  	v44 =	vshll.u32 v41, $0x4;
	v41 =	vcvt.s32.f32 v41;
	[tilespmem:v58+s21+$0x0] =	vst.idx.msk $0xffff, v38;
	v38 =	vadd.f32 v33, v51  }
0x194: {  	v45 =	vor.u32 v20, v34;
	[tilespmem:v60+s21+$0x0] =	vst.idx.msk $0xffff, v39  }
0x195: {  	v33 =	vsub.f32 v48, v41;
	v41 =	vor.u32 v21, v34;
	[tilespmem:v61+s21+$0x0] =	vst.idx.msk $0xffff, v38  }
0x196: {  	v38 =	vld.idx.msk [tilespmem:v42+s4+$0x0], $0xffff  }
0x197: {  	v49 =	vld.idx.msk [tilespmem:v40+s4+$0x0], $0xffff  }
0x198: {  	v46 =	vld.idx.msk [tilespmem:v43+s12+$0x0], $0xffff  }
0x199: {  	v47 =	vor.u32 v19, v34;
	v39 =	vld.idx.msk [tilespmem:v45+s4+$0x0], $0xffff  }
0x19a: {  	v48 =	vld.idx.msk [tilespmem:v41+s4+$0x0], $0xffff  }
0x19b: {  	v41 =	vld.idx.msk [tilespmem:v41+s12+$0x0], $0xffff  }
0x19c: {  	v50 =	vld.idx.msk [tilespmem:v45+s12+$0x0], $0xffff  }
0x19d: {  	v40 =	vld.idx.msk [tilespmem:v40+s12+$0x0], $0xffff  }
0x19e: {  	v51 =	vor.u32 v23, v34;
	v52 =	vmul.f32 v46, v35;
	v45 =	vld.idx.msk [tilespmem:v47+s12+$0x0], $0xffff  }
0x19f: {  	v55 =	vor.u32 v24, v34;
	v34 =	vmov v44;
	v54 =	vld.idx.msk [tilespmem:v43+s4+$0x0], $0xffff  }
0x1a0: {  	v56 =	vld.idx.msk [tilespmem:v47+s4+$0x0], $0xffff  }
0x1a1: {  	v43 =	vmul.f32 v41, v35  }
.Ltmp2:
0x1a2: {  	v46 =	vor.u32 v25, v36;
	v41 =	vld.idx.msk [tilespmem:v42+s12+$0x0], $0xffff;
	(pc) =	sbr.rel @p0 .LBB2_7-.Ltmp2, $4  }
0x1a3: {  	v47 =	vor.u32 v26, v36;
	v53 =	vmul.f32 v40, v35;
	v40 =	vadd.f32 v43, v48;
	v42 =	vld.idx.msk [tilespmem:v51+s12+$0x0], $0xffff  }
0x1a4: {  	v48 =	vor.u32 v27, v36;
	v57 =	vmul.f32 v45, v35;
	v43 =	vld.idx.msk [tilespmem:v55+s12+$0x0], $0xffff  }
0x1a5: {  	v53 =	vadd.f32 v53, v49;
	v49 =	vor.u32 v28, v36;
	v44 =	vld.idx.msk [tilespmem:v51+s4+$0x0], $0xffff;
	v51 =	vadd.f32 v52, v54  }
0x1a6: {  	v52 =	vadd.f32 v57, v56;
	v54 =	vmul.f32 v50, v35;
	v50 =	vor.u32 v29, v36;
	v45 =	vld.idx.msk [tilespmem:v55+s4+$0x0], $0xffff  }
0x1a7: {  	_ =	sdelay $0x3  }
0x1a8: {  	[tilespmem:v46+s21+$0x0] =	vst.idx.msk $0xffff, v53;
	v57 =	vor.u32 v31, v36;
	v41 =	vmul.f32 v41, v35  }
0x1a9: {  	v58 =	vor.u32 v32, v36;
	[tilespmem:v47+s21+$0x0] =	vst.idx.msk $0xffff, v51;
	v39 =	vadd.f32 v54, v39  }
0x1aa: {  	v60 =	vor.u32 v5, v34;
	v42 =	vmul.f32 v42, v35;
	[tilespmem:v48+s21+$0x0] =	vst.idx.msk $0xffff, v52  }
0x1ab: {  	v38 =	vadd.f32 v41, v38;
	v59 =	vmul.f32 v43, v35;
	[tilespmem:v49+s21+$0x0] =	vst.idx.msk $0xffff, v39  }
0x1ac: {  	v41 =	vor.u32 v7, v34;
	v61 =	vadd.f32 v42, v44;
	[tilespmem:v50+s21+$0x0] =	vst.idx.msk $0xffff, v40  }
0x1ad: {  	v62 =	vor.u32 v6, v34;
	v35 =	vadd.f32 v59, v45;
	[tilespmem:v37+s21+$0x0] =	vst.idx.msk $0xffff, v38  }
0x1ae: {  	[tilespmem:v57+s21+$0x0] =	vst.idx.msk $0xffff, v61  }
0x1af: {  	[tilespmem:v58+s21+$0x0] =	vst.idx.msk $0xffff, v35  }
0x1b0: {  	v63 =	vor.u32 v3, v34;
	v36 =	vld.idx.msk [tilespmem:v60+s4+$0x0], $0xffff  }
0x1b1: {  	v55 =	vor.u32 v2, v34;
	v40 =	vld.idx.msk [tilespmem:v41+s12+$0x0], $0xffff  }
0x1b2: {  	v56 =	vor.u32 v1, v34;
	v43 =	vld.idx.msk [tilespmem:v62+s4+$0x0], $0xffff  }
0x1b3: {  	v37 =	vld.idx.msk [tilespmem:v62+s12+$0x0], $0xffff  }
0x1b4: {  	v39 =	vld.idx.msk [tilespmem:v60+s12+$0x0], $0xffff  }
0x1b5: {  	v57 =	vor.u32 v4, v34;
	v44 =	vld.idx.msk [tilespmem:v63+s12+$0x0], $0xffff  }
0x1b6: {  	v46 =	vld.idx.msk [tilespmem:v55+s12+$0x0], $0xffff  }
0x1b7: {  	v58 =	vmov s29;
	v48 =	vld.idx.msk [tilespmem:v56+s12+$0x0], $0xffff  }
0x1b8: {  	v59 =	vor.u32 s29, v1;
	v47 =	vshll.u32 v58, $0x3;
	v38 =	vld.idx.msk [tilespmem:v55+s4+$0x0], $0xffff  }
0x1b9: {  	v50 =	vor.u32 v8, v34;
	v49 =	vand.u32 $0x7F, v59;
	v42 =	vld.idx.msk [tilespmem:v56+s4+$0x0], $0xffff;
	v47 =	vand.u32 $0xC00, v47  }
0x1ba: {  	v47 =	vor.u32 v47, v49;
	v60 =	vld.idx.msk [tilespmem:v57+s12+$0x0], $0xffff  }
0x1bb: {  	v35 =	vld.idx.msk [tilespmem:v63+s4+$0x0], $0xffff;
	v51 =	vor.u32 v9, v47;
	v61 =	vor.u32 v10, v47;
	v62 =	vor.u32 v11, v47  }
0x1bc: {  	v63 =	vor.u32 v12, v47;
	v55 =	vor.u32 v13, v47;
	v45 =	vld.idx.msk [tilespmem:v57+s4+$0x0], $0xffff;
	v48 =	vmul.f32 v48, v33  }
0x1bd: {  	v56 =	vor.u32 v14, v47;
	v57 =	vor.u32 v15, v47;
	v46 =	vmul.f32 v46, v33  }
0x1be: {  	v59 =	vld.idx.msk [tilespmem:v50+s12+$0x0], $0xffff;
	v58 =	vor.u32 v16, v47;
	v44 =	vmul.f32 v44, v33;
	v42 =	vadd.f32 v48, v42  }
0x1bf: {  	v41 =	vld.idx.msk [tilespmem:v41+s4+$0x0], $0xffff;
	v37 =	vmul.f32 v37, v33;
	v38 =	vadd.f32 v46, v38;
	v60 =	vmul.f32 v60, v33  }
0x1c0: {  	v39 =	vmul.f32 v39, v33;
	v48 =	vld.idx.msk [tilespmem:v50+s4+$0x0], $0xffff;
	v35 =	vadd.f32 v44, v35;
	[tilespmem:v51+s21+$0x0] =	vst.idx.msk $0xffff, v42  }
0x1c1: {  	v40 =	vmul.f32 v40, v33;
	[tilespmem:v61+s21+$0x0] =	vst.idx.msk $0xffff, v38;
	v61 =	vadd.f32 v60, v45  }
0x1c2: {  	v37 =	vadd.f32 v37, v43;
	v36 =	vadd.f32 v39, v36;
	[tilespmem:v62+s21+$0x0] =	vst.idx.msk $0xffff, v35  }
0x1c3: {  	v62 =	vmul.f32 v59, v33;
	[tilespmem:v63+s21+$0x0] =	vst.idx.msk $0xffff, v61;
	v63 =	vor.u32 v22, v34  }
0x1c4: {  	v50 =	vadd.f32 v40, v41;
	v51 =	vor.u32 v17, v34;
	[tilespmem:v55+s21+$0x0] =	vst.idx.msk $0xffff, v36  }
0x1c5: {  	v52 =	vor.u32 v18, v34;
	v35 =	vadd.f32 v62, v48;
	[tilespmem:v56+s21+$0x0] =	vst.idx.msk $0xffff, v37  }
0x1c6: {  	v54 =	vor.u32 v21, v34;
	[tilespmem:v57+s21+$0x0] =	vst.idx.msk $0xffff, v50  }
0x1c7: {  	[tilespmem:v58+s21+$0x0] =	vst.idx.msk $0xffff, v35  }
0x1c8: {  	v53 =	vor.u32 v20, v34;
	v39 =	vld.idx.msk [tilespmem:v63+s4+$0x0], $0xffff  }
0x1c9: {  	v41 =	vld.idx.msk [tilespmem:v51+s4+$0x0], $0xffff  }
0x1ca: {  	v55 =	vor.u32 v19, v34;
	v42 =	vld.idx.msk [tilespmem:v52+s12+$0x0], $0xffff  }
0x1cb: {  	v56 =	vld.idx.msk [tilespmem:v54+s4+$0x0], $0xffff  }
0x1cc: {  	v35 =	vld.idx.msk [tilespmem:v54+s12+$0x0], $0xffff  }
0x1cd: {  	v37 =	vld.idx.msk [tilespmem:v53+s12+$0x0], $0xffff  }
0x1ce: {  	v36 =	vld.idx.msk [tilespmem:v51+s12+$0x0], $0xffff  }
0x1cf: {  	v57 =	vor.u32 v23, v34;
	v58 =	vld.idx.msk [tilespmem:v55+s12+$0x0], $0xffff  }
0x1d0: {  	v59 =	vor.u32 v24, v34;
	v40 =	vld.idx.msk [tilespmem:v52+s4+$0x0], $0xffff  }
0x1d1: {  	v38 =	vld.idx.msk [tilespmem:v63+s12+$0x0], $0xffff  }
0x1d2: {  	v60 =	vor.u32 v25, v47;
	v61 =	vor.u32 v26, v47;
	v43 =	vld.idx.msk [tilespmem:v55+s4+$0x0], $0xffff  }
0x1d3: {  	v50 =	vor.u32 v30, v47;
	v44 =	vld.idx.msk [tilespmem:v53+s4+$0x0], $0xffff;
	v35 =	vmul.f32 v35, v33;
	v36 =	vmul.f32 v36, v33  }
0x1d4: {  	v63 =	vor.u32 v27, v47;
	v51 =	vld.idx.msk [tilespmem:v57+s12+$0x0], $0xffff;
	v42 =	vmul.f32 v42, v33;
	v48 =	vmul.f32 v58, v33  }
0x1d5: {  	v62 =	vld.idx.msk [tilespmem:v59+s12+$0x0], $0xffff;
	v35 =	vadd.f32 v35, v56;
	v36 =	vadd.f32 v36, v41;
	v56 =	vor.u32 v28, v47  }
0x1d6: {  	v46 =	vld.idx.msk [tilespmem:v57+s4+$0x0], $0xffff;
	v57 =	vor.u32 v29, v47;
	v37 =	vmul.f32 v37, v33;
	v40 =	vadd.f32 v42, v40  }
0x1d7: {  	v34 =	vld.idx.msk [tilespmem:v59+s4+$0x0], $0xffff;
	v38 =	vmul.f32 v38, v33;
	v43 =	vadd.f32 v48, v43;
	[tilespmem:v60+s21+$0x0] =	vst.idx.msk $0xffff, v36  }
0x1d8: {  	v58 =	vor.u32 v31, v47;
	v37 =	vadd.f32 v37, v44;
	[tilespmem:v61+s21+$0x0] =	vst.idx.msk $0xffff, v40  }
0x1d9: {  	s26 =	sadd.s32 $0x1, s26;
	v59 =	vmul.f32 v51, v33;
	v60 =	vor.u32 v32, v47;
	[tilespmem:v63+s21+$0x0] =	vst.idx.msk $0xffff, v43  }
0x1da: {  	p0 =	sne.s32 s26, $0x19;
	v62 =	vmul.f32 v62, v33;
	v61 =	vadd.f32 v38, v39;
	[tilespmem:v56+s21+$0x0] =	vst.idx.msk $0xffff, v37  }
.Ltmp3:
0x1db: {  	v63 =	vadd.f32 v59, v46;
	[tilespmem:v57+s21+$0x0] =	vst.idx.msk $0xffff, v35;
	(pc) =	sbr.rel @p0 .LBB2_4-.Ltmp3, $4  }
0x1dc: {  	v33 =	vadd.f32 v62, v34;
	[tilespmem:v50+s21+$0x0] =	vst.idx.msk $0xffff, v61  }
0x1dd: {  	s1 =	sshll.u32 s28, $0x7;
	[tilespmem:v58+s21+$0x0] =	vst.idx.msk $0xffff, v63  }
0x1de: {  	s1 =	sadd.s32 s3, s1;
	[tilespmem:v60+s21+$0x0] =	vst.idx.msk $0xffff, v33  }
0x1df: {  	[hbm4b:s1+s18] =	stream.strided.scatter [tilespmem:s21], [sflag:$0x4], $0x2000, s19, s18, $0x38;
	[tilespmem:$0x8500] =	vst v63  }
0x1e0: {  	s24 =	sadd.s32 $0x1, s24  }
0x1e1: {  	_ =	swait.ge [sflag:s22], $0x2000;
	p0 =	sne.s32 s24, s10  }
.Ltmp4:
0x1e2: {  	[sflag:s22] =	ssyncset.done $0x0;
	(pc) =	sbr.rel @p0 .LBB2_1-.Ltmp4, $4  }
0x1e3: {  	[sflag:s22] =	ssyncadd.s32 $0xFFFFE000  }
0x1e4: {  	_ =	swait.ge [sflag:s23], $0x2000  }
0x1e5: {  	[sflag:s23] =	ssyncset.done $0x0  }
0x1e6: {  	[sflag:s23] =	ssyncadd.s32 $0xFFFFE000  }
0x1e7: {  	_ =	sfence.sel $0x180000  }
0x1e8: {  	[bflag:$0x0] =	sbarrier.arrive $0xFFFF  }
0x1e9: {  	_ =	strace $0x90000047  }
0x1ea: {  	s0 =	stileid.u32;
	[bflag:$0x2] =	sbarrier.arrive $0xFFFF  }
0x1eb: {  	p0 =	sne.s32 s0, $0x0;
	s0 =	rddreg [dreg:$0x3]  }
0x1ec: {  	s0 =	sadd.s32 @!p0 $0x100000, s0  }
0x1ed: {  	[sflag:s0] =	ssyncadd.tile.s32 @!p0 $0x1;
	_ =	shalt  }
.Lfunc_end2:
_tile_overlayer_lowered:
.L_overlay_start_2:
0x1ee: {  	(tag) =	ssettag $0x2  }
0x1ef: {  	s0 =	rddreg [dreg:$0x0];
	s2 =	stileid.u32  }
0x1f0: {  	s1 =	rddreg [dreg:$0x1];
	p0 =	sne.s32 s2, $0x0  }
0x1f1: {  	s3 =	rddreg [dreg:$0x2];
	[bflag:$0x3] =	sbarrier.arrive $0xFFFF;
	s2 =	simm.s32 @!p0 $0x1C05  }
0x1f2: {  	[timem:s3], [sflag:s2] =	dma.local @!p0 [hbm:s0], s1  }
0x1f3: {  	s0 =	simm.s32 @!p0 $0x5  }
0x1f4: {  	_ =	swait.ge @!p0 [sflag:s0], s1  }
0x1f5: {  	s1 =	ssub.s32 @!p0 $0x0, s1;
	[sflag:s0] =	ssyncset.done @!p0 $0x0  }
0x1f6: {  	[sflag:s0] =	ssyncadd.s32 @!p0 s1  }
0x1f7: {  	[bflag:$0x3] =	sbarrier.arrive $0xFFFF  }
0x1f8: {  	_ =	shalt  }

</sc_bundles>
